<compile_context>
chip_gen: v7x
topology: tpu7x:2x2x1
jax: 0.10.2.dev20260603
libtpu: 0.0.44.dev20260713+nightly
codegen_flags: <defaults>
</compile_context>

<pallas_src>
import functools

import jax
import jax.numpy as jnp
from jax import lax
from jax.experimental import pallas as pl
from jax.experimental.pallas import tpu as pltpu
from jax.experimental.pallas import tpu_sc as plsc

B = 64
N = 4096
K_SEL = 128
L = 16
NV = N // L
NC = 2
NS = 16
NW = NC * NS
ROWS_PER_W = B // NW

_I32_MIN = -2147483648


def _lane():
    return lax.broadcasted_iota(jnp.int32, (L,), 0)


def _pc(m):
    return plsc.all_reduce_population_count(m)


def _take(v, i):
    return jnp.take_along_axis(v, i, axis=0, mode="promise_in_bounds")


def _rcr(v):
    return lax.rev(plsc.cumsum(lax.rev(v, (0,))), (0,))


def _key_of(x):
    bits = plsc.bitcast(x, jnp.int32)
    bits = jnp.where(bits == _I32_MIN, 0, bits)
    return jnp.where(bits >= 0, bits, bits ^ jnp.int32(0x7FFFFFFF))


def _select_bucket(hist, kk, histb=None):
    lane = _lane()
    vs = [hist[pl.ds(i * L, L)] for i in range(16)]
    if histb is not None:
        vs += [histb[pl.ds(i * L, L)] for i in range(16)]
    while len(vs) > 1:
        vs = [vs[i] + vs[i + 1] for i in range(0, len(vs), 2)]
    ct = vs[0]
    suf_c = _rcr(ct)
    jc = jnp.maximum(_pc(suf_c >= kk) - 1, 0)
    cnt_above = _take(suf_c, jc) - _take(ct, jc)
    cvec = plsc.load_gather(hist, [lane * L + jc])
    if histb is not None:
        cvec = cvec + plsc.load_gather(histb, [lane * L + jc])
    wsuf = _rcr(cvec) + cnt_above
    fm = wsuf >= kk
    ib = jnp.maximum(_pc(fm) - 1, 0)
    wib = _take(wsuf, ib)
    cib = _take(cvec, ib)
    b = jc * L + ib
    kn = kk - (wib - cib)
    return b, kn, cib


def _zero_hist(hist):
    z = jnp.zeros((L,), jnp.int32)
    for j in range(16):
        hist[pl.ds(j * L, L)] = z


def _sc_body(x_hbm, out_hbm, xv, kbuf, cbuf, cb2, cb3, hist, histb, outv):
    wid = lax.axis_index("s") * NC + lax.axis_index("c")
    base = wid * ROWS_PER_W
    pltpu.sync_copy(x_hbm.at[pl.ds(base, ROWS_PER_W)], xv)

    lane = _lane()
    ones = jnp.ones((L,), jnp.int32)
    zero_splat = jnp.zeros((L,), jnp.int32)

    def row_body(r, _):
        _zero_hist(hist)
        _zero_hist(histb)

        @plsc.parallel_loop(0, NV // 2, unroll=2)
        def _pass_a(i):
            key_a = _key_of(xv[r, pl.ds(2 * i * L, L)])
            kbuf[pl.ds(2 * i * L, L)] = key_a
            ta = key_a >> 24
            idx_a = ((ta & 0xF) << 4) | (((ta >> 4) & 0xF) ^ 0x8)
            plsc.addupdate_scatter(hist, [idx_a], ones)
            key_b = _key_of(xv[r, pl.ds((2 * i + 1) * L, L)])
            kbuf[pl.ds((2 * i + 1) * L, L)] = key_b
            tb = key_b >> 24
            idx_b = ((tb & 0xF) << 4) | (((tb >> 4) & 0xF) ^ 0x8)
            plsc.addupdate_scatter(histb, [idx_b], ones)

        kk = jnp.full((L,), K_SEL, jnp.int32)
        b0, kk, mb = _select_bucket(hist, kk, histb)
        p0 = b0 - 128

        @plsc.parallel_loop(0, NV, carry=zero_splat)
        def _extract0(i, off):
            key = kbuf[pl.ds(i * L, L)]
            mm = (key >> 24) == p0
            pos = off + plsc.cumsum(mm.astype(jnp.int32)) - 1
            plsc.store_scatter(cbuf, [pos], key, mask=mm)
            return off + _pc(mm)

        m = jnp.max(mb)

        def refine_stage(src_ref, dst_ref, m, kk, shift):
            small = m <= L
            nvec = jnp.where(small, 0, (m + (L - 1)) // L)
            _zero_hist(hist)

            @plsc.parallel_loop(0, nvec)
            def _hpass(i):
                kv = src_ref[pl.ds(i * L, L)]
                valid = (i * L + lane) < m
                t = kv >> shift
                idx_t = ((t & 0xF) << 4) | ((t >> 4) & 0xF)
                plsc.addupdate_scatter(hist, [idx_t], ones, mask=valid)

            b, kn, mbv = _select_bucket(hist, kk)
            dst_ref[pl.ds(0, L)] = src_ref[pl.ds(0, L)]

            @plsc.parallel_loop(0, nvec, carry=zero_splat)
            def _epass(i, off):
                kv = src_ref[pl.ds(i * L, L)]
                valid = (i * L + lane) < m
                mm = jnp.logical_and(((kv >> shift) & 0xFF) == b, valid)
                pos = off + plsc.cumsum(mm.astype(jnp.int32)) - 1
                plsc.store_scatter(dst_ref, [pos], kv, mask=mm)
                return off + _pc(mm)

            m2 = jnp.where(small, m, jnp.max(mbv))
            kk2 = jnp.where(small, kk, kn)
            return m2, kk2

        m, kk = refine_stage(cbuf, cb2, m, kk, 16)
        m, kk = refine_stage(cb2, cb3, m, kk, 8)
        m, kk = refine_stage(cb3, cb2, m, kk, 0)

        kv = cb2[pl.ds(0, L)]
        kvm = jnp.where(lane < m, kv, _I32_MIN)
        skey, _ = plsc.sort_key_val(kvm, kvm, descending=True)
        t_sorted = _take(skey, kk - 1)
        t_first = _take(kv, zero_splat)
        tkey = jnp.where(m <= L, t_sorted, t_first)

        @plsc.parallel_loop(0, NV, unroll=4)
        def _mask_pass(i):
            kv = kbuf[pl.ds(i * L, L)]
            outv[r, pl.ds(i * L, L)] = jnp.where(
                kv >= tkey, jnp.float32(1.0), jnp.float32(0.0))

        return 0

    lax.fori_loop(0, ROWS_PER_W, row_body, 0)
    pltpu.sync_copy(outv, out_hbm.at[pl.ds(base, ROWS_PER_W)])


@functools.partial(
    pl.kernel,
    out_type=jax.ShapeDtypeStruct((B, N), jnp.float32),
    mesh=plsc.VectorSubcoreMesh(core_axis_name="c", subcore_axis_name="s",
                                num_cores=NC, num_subcores=NS),
    compiler_params=pltpu.CompilerParams(needs_layout_passes=False,
                                         use_tc_tiling_on_sc=False),
    scratch_types=[
        pltpu.VMEM((ROWS_PER_W, N), jnp.float32),
        pltpu.VMEM((N,), jnp.int32),
        pltpu.VMEM((N,), jnp.int32),
        pltpu.VMEM((N,), jnp.int32),
        pltpu.VMEM((N,), jnp.int32),
        pltpu.VMEM((256,), jnp.int32),
        pltpu.VMEM((256,), jnp.int32),
        pltpu.VMEM((ROWS_PER_W, N), jnp.float32),
    ],
)
def _sc_topk(x_hbm, out_hbm, xv, kbuf, cbuf, cb2, cb3, hist, histb, outv):
    _sc_body(x_hbm, out_hbm, xv, kbuf, cbuf, cb2, cb3, hist, histb, outv)


@jax.jit
def kernel(logits):
    x = logits.reshape(B, N)
    out = _sc_topk(x)
    return out.reshape(B, N, 1)

# --- scband reference (transcript-rebuilt; emitter-appended) ---
"""Pipeline reference for scband-imlesubsetk-layer-58325655880184 (READ-ONLY COPY).

The authoritative reference and input builder live on the scoring server;
editing this copy changes nothing except your own understanding.
"""

import jax, jax.numpy as jnp
import numpy as np

K_TOPK = 128
TAU = 30.0
LAMBDA = 1000.0


def setup_inputs(seed: int = 0) -> dict:
    key = jax.random.key(seed)
    logits = jax.random.normal(key, (64, 4096, 1), dtype=jnp.float32)
    return {"logits": logits}


def reference(logits):
    # call(): squeeze last dim, gumbel_topk_new, expand last dim.
    # In Keras, K.in_train_phase defaults to the test branch at inference:
    # z_test = hard top-k mask on the raw logits (deterministic).
    x = jnp.squeeze(logits, -1)  # [B, N]
    topk_vals = jax.lax.top_k(x, K_TOPK)[0]  # [B, k], sorted desc
    threshold = topk_vals[:, -1:]  # k-th largest per row, [B, 1]
    z = (x >= threshold).astype(jnp.float32)  # [B, N]
    return jnp.expand_dims(z, -1)  # [B, N, 1]

if __name__ == "__main__":
    import jax
    _d = setup_inputs()
    print(jax.jit(kernel)(*tuple(_d.values())))

</pallas_src>

<mosaic_0001>
#map = affine_map<(d0, d1) -> (0, 0)>
module attributes {stable_mosaic.version = 14 : i64} {
  func.func @_sc_topk(%arg0: i32, %arg1: i32, %arg2: memref<64x4096xf32, #tpu.memory_space<hbm>>, %arg3: memref<64x4096xf32, #tpu.memory_space<hbm>>, %arg4: memref<2x4096xf32, #tpu.memory_space<vmem>>, %arg5: memref<4096xi32, #tpu.memory_space<vmem>>, %arg6: memref<4096xi32, #tpu.memory_space<vmem>>, %arg7: memref<4096xi32, #tpu.memory_space<vmem>>, %arg8: memref<4096xi32, #tpu.memory_space<vmem>>, %arg9: memref<256xi32, #tpu.memory_space<vmem>>, %arg10: memref<256xi32, #tpu.memory_space<vmem>>, %arg11: memref<2x4096xf32, #tpu.memory_space<vmem>>) attributes {dimension_semantics = [#tpu.dimension_semantics<core_parallel>, #tpu.dimension_semantics<subcore_parallel>], iteration_bounds = array<i64: 2, 16>, scalar_prefetch = 0 : i64, scratch_operands = 8 : i64, tpu.core_type = #tpu.core_type<sc_vector_subcore>, window_params = [{transform_indices = #map}, {transform_indices = #map}]} {
    %mul3A = arith.constant 2 : i32
    %mul3A_0 = arith.muli %arg1, %mul3A : i32
    %add3A = arith.addi %mul3A_0, %arg0 : i32
    %mul3A_1 = arith.constant 2 : i32
    %mul3A_2 = arith.muli %add3A, %mul3A_1 : i32
    "tpu.region"() ({
      %run_scoped3A = tpu.sem_alloc : memref<!tpu.dma_semaphore, #tpu.memory_space<semaphore_mem>>
      %dma_start3A = arith.constant 0 : i32
      %dma_start3A_12 = tpu.memref_slice %arg2[%mul3A_2, %dma_start3A] : memref<64x4096xf32, #tpu.memory_space<hbm>> -> memref<2x4096xf32, #tpu.memory_space<hbm>>
      %dma_start3A_13 = arith.constant 0 : i32
      %dma_start3A_14 = tpu.memref_slice %arg2[%mul3A_2, %dma_start3A_13] : memref<64x4096xf32, #tpu.memory_space<hbm>> -> memref<2x4096xf32, #tpu.memory_space<hbm>>
      tpu.enqueue_dma source(%dma_start3A_14 : memref<2x4096xf32, #tpu.memory_space<hbm>>) target(%arg4 : memref<2x4096xf32, #tpu.memory_space<vmem>>) target_semaphore(%run_scoped3A : memref<!tpu.dma_semaphore, #tpu.memory_space<semaphore_mem>>)
      %dma_wait3A = arith.constant 0 : i32
      %dma_wait3A_15 = tpu.memref_slice %arg2[%mul3A_2, %dma_wait3A] : memref<64x4096xf32, #tpu.memory_space<hbm>> -> memref<2x4096xf32, #tpu.memory_space<hbm>>
      %dma_wait3A_16 = arith.constant 0 : i32
      %dma_wait3A_17 = tpu.memref_slice %arg2[%mul3A_2, %dma_wait3A_16] : memref<64x4096xf32, #tpu.memory_space<hbm>> -> memref<2x4096xf32, #tpu.memory_space<hbm>>
      tpu.wait_dma2 semaphore(%run_scoped3A : memref<!tpu.dma_semaphore, #tpu.memory_space<semaphore_mem>>) src(%dma_wait3A_17 : memref<2x4096xf32, #tpu.memory_space<hbm>>) dst(%arg4 : memref<2x4096xf32, #tpu.memory_space<vmem>>)
      tpu.yield
    }) : () -> ()
    %iota3A = tpu.iota {dimensions = array<i32: 0>} : vector<16xi32>
    %broadcast_in_dim3A = arith.constant 1 : i32
    %broadcast_in_dim3A_3 = vector.broadcast %broadcast_in_dim3A : i32 to vector<16xi32>
    %broadcast_in_dim3A_4 = arith.constant 0 : i32
    %broadcast_in_dim3A_5 = vector.broadcast %broadcast_in_dim3A_4 : i32 to vector<16xi32>
    %scan3A = arith.constant 0 : i32
    %scan3A_6 = arith.constant 0 : i32
    %scan3A_7 = arith.constant 2 : i32
    %scan3A_8 = arith.addi %scan3A_6, %scan3A_7 : i32
    %scan3A_9 = arith.constant 1 : i32
    %scan3A_10 = scf.for %scan3A_12 = %scan3A_6 to %scan3A_8 step %scan3A_9 iter_args(%scan3A_13 = %scan3A) -> (i32)  : i32 {
      %broadcast_in_dim3A_14 = arith.constant 0 : i32
      %broadcast_in_dim3A_15 = vector.broadcast %broadcast_in_dim3A_14 : i32 to vector<16xi32>
      %swap3A = arith.constant 0 : index
      %swap3A_16 = tpu.vector_load %arg9[%swap3A] {strides = array<i32>} : memref<256xi32, #tpu.memory_space<vmem>>, vector<16xi32>,
      tpu.vector_store %arg9[%swap3A], %broadcast_in_dim3A_15 {strides = array<i32>} : memref<256xi32, #tpu.memory_space<vmem>>, vector<16xi32>,
      %swap3A_17 = arith.constant 16 : index
      %swap3A_18 = tpu.vector_load %arg9[%swap3A_17] {strides = array<i32>} : memref<256xi32, #tpu.memory_space<vmem>>, vector<16xi32>,
      tpu.vector_store %arg9[%swap3A_17], %broadcast_in_dim3A_15 {strides = array<i32>} : memref<256xi32, #tpu.memory_space<vmem>>, vector<16xi32>,
      %swap3A_19 = arith.constant 32 : index
      %swap3A_20 = tpu.vector_load %arg9[%swap3A_19] {strides = array<i32>} : memref<256xi32, #tpu.memory_space<vmem>>, vector<16xi32>,
      tpu.vector_store %arg9[%swap3A_19], %broadcast_in_dim3A_15 {strides = array<i32>} : memref<256xi32, #tpu.memory_space<vmem>>, vector<16xi32>,
      %swap3A_21 = arith.constant 48 : index
      %swap3A_22 = tpu.vector_load %arg9[%swap3A_21] {strides = array<i32>} : memref<256xi32, #tpu.memory_space<vmem>>, vector<16xi32>,
      tpu.vector_store %arg9[%swap3A_21], %broadcast_in_dim3A_15 {strides = array<i32>} : memref<256xi32, #tpu.memory_space<vmem>>, vector<16xi32>,
      %swap3A_23 = arith.constant 64 : index
      %swap3A_24 = tpu.vector_load %arg9[%swap3A_23] {strides = array<i32>} : memref<256xi32, #tpu.memory_space<vmem>>, vector<16xi32>,
      tpu.vector_store %arg9[%swap3A_23], %broadcast_in_dim3A_15 {strides = array<i32>} : memref<256xi32, #tpu.memory_space<vmem>>, vector<16xi32>,
      %swap3A_25 = arith.constant 80 : index
      %swap3A_26 = tpu.vector_load %arg9[%swap3A_25] {strides = array<i32>} : memref<256xi32, #tpu.memory_space<vmem>>, vector<16xi32>,
      tpu.vector_store %arg9[%swap3A_25], %broadcast_in_dim3A_15 {strides = array<i32>} : memref<256xi32, #tpu.memory_space<vmem>>, vector<16xi32>,
      %swap3A_27 = arith.constant 96 : index
      %swap3A_28 = tpu.vector_load %arg9[%swap3A_27] {strides = array<i32>} : memref<256xi32, #tpu.memory_space<vmem>>, vector<16xi32>,
      tpu.vector_store %arg9[%swap3A_27], %broadcast_in_dim3A_15 {strides = array<i32>} : memref<256xi32, #tpu.memory_space<vmem>>, vector<16xi32>,
      %swap3A_29 = arith.constant 112 : index
      %swap3A_30 = tpu.vector_load %arg9[%swap3A_29] {strides = array<i32>} : memref<256xi32, #tpu.memory_space<vmem>>, vector<16xi32>,
      tpu.vector_store %arg9[%swap3A_29], %broadcast_in_dim3A_15 {strides = array<i32>} : memref<256xi32, #tpu.memory_space<vmem>>, vector<16xi32>,
      %swap3A_31 = arith.constant 128 : index
      %swap3A_32 = tpu.vector_load %arg9[%swap3A_31] {strides = array<i32>} : memref<256xi32, #tpu.memory_space<vmem>>, vector<16xi32>,
      tpu.vector_store %arg9[%swap3A_31], %broadcast_in_dim3A_15 {strides = array<i32>} : memref<256xi32, #tpu.memory_space<vmem>>, vector<16xi32>,
      %swap3A_33 = arith.constant 144 : index
      %swap3A_34 = tpu.vector_load %arg9[%swap3A_33] {strides = array<i32>} : memref<256xi32, #tpu.memory_space<vmem>>, vector<16xi32>,
      tpu.vector_store %arg9[%swap3A_33], %broadcast_in_dim3A_15 {strides = array<i32>} : memref<256xi32, #tpu.memory_space<vmem>>, vector<16xi32>,
      %swap3A_35 = arith.constant 160 : index
      %swap3A_36 = tpu.vector_load %arg9[%swap3A_35] {strides = array<i32>} : memref<256xi32, #tpu.memory_space<vmem>>, vector<16xi32>,
      tpu.vector_store %arg9[%swap3A_35], %broadcast_in_dim3A_15 {strides = array<i32>} : memref<256xi32, #tpu.memory_space<vmem>>, vector<16xi32>,
      %swap3A_37 = arith.constant 176 : index
      %swap3A_38 = tpu.vector_load %arg9[%swap3A_37] {strides = array<i32>} : memref<256xi32, #tpu.memory_space<vmem>>, vector<16xi32>,
      tpu.vector_store %arg9[%swap3A_37], %broadcast_in_dim3A_15 {strides = array<i32>} : memref<256xi32, #tpu.memory_space<vmem>>, vector<16xi32>,
      %swap3A_39 = arith.constant 192 : index
      %swap3A_40 = tpu.vector_load %arg9[%swap3A_39] {strides = array<i32>} : memref<256xi32, #tpu.memory_space<vmem>>, vector<16xi32>,
      tpu.vector_store %arg9[%swap3A_39], %broadcast_in_dim3A_15 {strides = array<i32>} : memref<256xi32, #tpu.memory_space<vmem>>, vector<16xi32>,
      %swap3A_41 = arith.constant 208 : index
      %swap3A_42 = tpu.vector_load %arg9[%swap3A_41] {strides = array<i32>} : memref<256xi32, #tpu.memory_space<vmem>>, vector<16xi32>,
      tpu.vector_store %arg9[%swap3A_41], %broadcast_in_dim3A_15 {strides = array<i32>} : memref<256xi32, #tpu.memory_space<vmem>>, vector<16xi32>,
      %swap3A_43 = arith.constant 224 : index
      %swap3A_44 = tpu.vector_load %arg9[%swap3A_43] {strides = array<i32>} : memref<256xi32, #tpu.memory_space<vmem>>, vector<16xi32>,
      tpu.vector_store %arg9[%swap3A_43], %broadcast_in_dim3A_15 {strides = array<i32>} : memref<256xi32, #tpu.memory_space<vmem>>, vector<16xi32>,
      %swap3A_45 = arith.constant 240 : index
      %swap3A_46 = tpu.vector_load %arg9[%swap3A_45] {strides = array<i32>} : memref<256xi32, #tpu.memory_space<vmem>>, vector<16xi32>,
      tpu.vector_store %arg9[%swap3A_45], %broadcast_in_dim3A_15 {strides = array<i32>} : memref<256xi32, #tpu.memory_space<vmem>>, vector<16xi32>,
      %broadcast_in_dim3A_47 = arith.constant 0 : i32
      %broadcast_in_dim3A_48 = vector.broadcast %broadcast_in_dim3A_47 : i32 to vector<16xi32>
      %swap3A_49 = arith.constant 0 : index
      %swap3A_50 = tpu.vector_load %arg10[%swap3A_49] {strides = array<i32>} : memref<256xi32, #tpu.memory_space<vmem>>, vector<16xi32>,
      tpu.vector_store %arg10[%swap3A_49], %broadcast_in_dim3A_48 {strides = array<i32>} : memref<256xi32, #tpu.memory_space<vmem>>, vector<16xi32>,
      %swap3A_51 = arith.constant 16 : index
      %swap3A_52 = tpu.vector_load %arg10[%swap3A_51] {strides = array<i32>} : memref<256xi32, #tpu.memory_space<vmem>>, vector<16xi32>,
      tpu.vector_store %arg10[%swap3A_51], %broadcast_in_dim3A_48 {strides = array<i32>} : memref<256xi32, #tpu.memory_space<vmem>>, vector<16xi32>,
      %swap3A_53 = arith.constant 32 : index
      %swap3A_54 = tpu.vector_load %arg10[%swap3A_53] {strides = array<i32>} : memref<256xi32, #tpu.memory_space<vmem>>, vector<16xi32>,
      tpu.vector_store %arg10[%swap3A_53], %broadcast_in_dim3A_48 {strides = array<i32>} : memref<256xi32, #tpu.memory_space<vmem>>, vector<16xi32>,
      %swap3A_55 = arith.constant 48 : index
      %swap3A_56 = tpu.vector_load %arg10[%swap3A_55] {strides = array<i32>} : memref<256xi32, #tpu.memory_space<vmem>>, vector<16xi32>,
      tpu.vector_store %arg10[%swap3A_55], %broadcast_in_dim3A_48 {strides = array<i32>} : memref<256xi32, #tpu.memory_space<vmem>>, vector<16xi32>,
      %swap3A_57 = arith.constant 64 : index
      %swap3A_58 = tpu.vector_load %arg10[%swap3A_57] {strides = array<i32>} : memref<256xi32, #tpu.memory_space<vmem>>, vector<16xi32>,
      tpu.vector_store %arg10[%swap3A_57], %broadcast_in_dim3A_48 {strides = array<i32>} : memref<256xi32, #tpu.memory_space<vmem>>, vector<16xi32>,
      %swap3A_59 = arith.constant 80 : index
      %swap3A_60 = tpu.vector_load %arg10[%swap3A_59] {strides = array<i32>} : memref<256xi32, #tpu.memory_space<vmem>>, vector<16xi32>,
      tpu.vector_store %arg10[%swap3A_59], %broadcast_in_dim3A_48 {strides = array<i32>} : memref<256xi32, #tpu.memory_space<vmem>>, vector<16xi32>,
      %swap3A_61 = arith.constant 96 : index
      %swap3A_62 = tpu.vector_load %arg10[%swap3A_61] {strides = array<i32>} : memref<256xi32, #tpu.memory_space<vmem>>, vector<16xi32>,
      tpu.vector_store %arg10[%swap3A_61], %broadcast_in_dim3A_48 {strides = array<i32>} : memref<256xi32, #tpu.memory_space<vmem>>, vector<16xi32>,
      %swap3A_63 = arith.constant 112 : index
      %swap3A_64 = tpu.vector_load %arg10[%swap3A_63] {strides = array<i32>} : memref<256xi32, #tpu.memory_space<vmem>>, vector<16xi32>,
      tpu.vector_store %arg10[%swap3A_63], %broadcast_in_dim3A_48 {strides = array<i32>} : memref<256xi32, #tpu.memory_space<vmem>>, vector<16xi32>,
      %swap3A_65 = arith.constant 128 : index
      %swap3A_66 = tpu.vector_load %arg10[%swap3A_65] {strides = array<i32>} : memref<256xi32, #tpu.memory_space<vmem>>, vector<16xi32>,
      tpu.vector_store %arg10[%swap3A_65], %broadcast_in_dim3A_48 {strides = array<i32>} : memref<256xi32, #tpu.memory_space<vmem>>, vector<16xi32>,
      %swap3A_67 = arith.constant 144 : index
      %swap3A_68 = tpu.vector_load %arg10[%swap3A_67] {strides = array<i32>} : memref<256xi32, #tpu.memory_space<vmem>>, vector<16xi32>,
      tpu.vector_store %arg10[%swap3A_67], %broadcast_in_dim3A_48 {strides = array<i32>} : memref<256xi32, #tpu.memory_space<vmem>>, vector<16xi32>,
      %swap3A_69 = arith.constant 160 : index
      %swap3A_70 = tpu.vector_load %arg10[%swap3A_69] {strides = array<i32>} : memref<256xi32, #tpu.memory_space<vmem>>, vector<16xi32>,
      tpu.vector_store %arg10[%swap3A_69], %broadcast_in_dim3A_48 {strides = array<i32>} : memref<256xi32, #tpu.memory_space<vmem>>, vector<16xi32>,
      %swap3A_71 = arith.constant 176 : index
      %swap3A_72 = tpu.vector_load %arg10[%swap3A_71] {strides = array<i32>} : memref<256xi32, #tpu.memory_space<vmem>>, vector<16xi32>,
      tpu.vector_store %arg10[%swap3A_71], %broadcast_in_dim3A_48 {strides = array<i32>} : memref<256xi32, #tpu.memory_space<vmem>>, vector<16xi32>,
      %swap3A_73 = arith.constant 192 : index
      %swap3A_74 = tpu.vector_load %arg10[%swap3A_73] {strides = array<i32>} : memref<256xi32, #tpu.memory_space<vmem>>, vector<16xi32>,
      tpu.vector_store %arg10[%swap3A_73], %broadcast_in_dim3A_48 {strides = array<i32>} : memref<256xi32, #tpu.memory_space<vmem>>, vector<16xi32>,
      %swap3A_75 = arith.constant 208 : index
      %swap3A_76 = tpu.vector_load %arg10[%swap3A_75] {strides = array<i32>} : memref<256xi32, #tpu.memory_space<vmem>>, vector<16xi32>,
      tpu.vector_store %arg10[%swap3A_75], %broadcast_in_dim3A_48 {strides = array<i32>} : memref<256xi32, #tpu.memory_space<vmem>>, vector<16xi32>,
      %swap3A_77 = arith.constant 224 : index
      %swap3A_78 = tpu.vector_load %arg10[%swap3A_77] {strides = array<i32>} : memref<256xi32, #tpu.memory_space<vmem>>, vector<16xi32>,
      tpu.vector_store %arg10[%swap3A_77], %broadcast_in_dim3A_48 {strides = array<i32>} : memref<256xi32, #tpu.memory_space<vmem>>, vector<16xi32>,
      %swap3A_79 = arith.constant 240 : index
      %swap3A_80 = tpu.vector_load %arg10[%swap3A_79] {strides = array<i32>} : memref<256xi32, #tpu.memory_space<vmem>>, vector<16xi32>,
      tpu.vector_store %arg10[%swap3A_79], %broadcast_in_dim3A_48 {strides = array<i32>} : memref<256xi32, #tpu.memory_space<vmem>>, vector<16xi32>,
      %parallel_loop3A = arith.constant 0 : i32
      %parallel_loop3A_81 = arith.constant 128 : i32
      %parallel_loop3A_82 = arith.constant 1 : i32
      scf.for %parallel_loop3A_874 = %parallel_loop3A to %parallel_loop3A_81 step %parallel_loop3A_82  : i32 {
        %parallel_loop3A_875 = arith.constant 2 : i32
        %parallel_loop3A_876 = arith.muli %parallel_loop3A_875, %parallel_loop3A_874 : i32
        %parallel_loop3A_877 = arith.constant 16 : i32
        %parallel_loop3A_878 = arith.muli %parallel_loop3A_876, %parallel_loop3A_877 : i32
        %parallel_loop3A_879 = arith.index_cast %scan3A_12 : i32 to index
        %parallel_loop3A_880 = arith.index_cast %parallel_loop3A_878 : i32 to index
        %parallel_loop3A_881 = tpu.vector_load %arg4[%parallel_loop3A_879, %parallel_loop3A_880] {strides = array<i32>} : memref<2x4096xf32, #tpu.memory_space<vmem>>, vector<16xf32>,
        %parallel_loop3A_882 = vector.bitcast %parallel_loop3A_881 : vector<16xf32> to vector<16xi32>
        %parallel_loop3A_883 = arith.constant -2147483648 : i32
        %parallel_loop3A_884 = vector.broadcast %parallel_loop3A_883 : i32 to vector<16xi32>
        %parallel_loop3A_885 = arith.cmpi eq, %parallel_loop3A_882, %parallel_loop3A_884 : vector<16xi32>
        %parallel_loop3A_886 = arith.constant 0 : i32
        %parallel_loop3A_887 = vector.broadcast %parallel_loop3A_886 : i32 to vector<16xi32>
        %parallel_loop3A_888 = arith.select %parallel_loop3A_885, %parallel_loop3A_887, %parallel_loop3A_882 : vector<16xi1>, vector<16xi32>
        %parallel_loop3A_889 = arith.constant 0 : i32
        %parallel_loop3A_890 = vector.broadcast %parallel_loop3A_889 : i32 to vector<16xi32>
        %parallel_loop3A_891 = arith.cmpi sge, %parallel_loop3A_888, %parallel_loop3A_890 : vector<16xi32>
        %parallel_loop3A_892 = arith.constant 2147483647 : i32
        %parallel_loop3A_893 = vector.broadcast %parallel_loop3A_892 : i32 to vector<16xi32>
        %parallel_loop3A_894 = arith.xori %parallel_loop3A_888, %parallel_loop3A_893 : vector<16xi32>
        %parallel_loop3A_895 = arith.select %parallel_loop3A_891, %parallel_loop3A_888, %parallel_loop3A_894 : vector<16xi1>, vector<16xi32>
        %parallel_loop3A_896 = arith.constant 2 : i32
        %parallel_loop3A_897 = arith.muli %parallel_loop3A_896, %parallel_loop3A_874 : i32
        %parallel_loop3A_898 = arith.constant 16 : i32
        %parallel_loop3A_899 = arith.muli %parallel_loop3A_897, %parallel_loop3A_898 : i32
        %parallel_loop3A_900 = arith.index_cast %parallel_loop3A_899 : i32 to index
        %parallel_loop3A_901 = tpu.vector_load %arg5[%parallel_loop3A_900] {strides = array<i32>} : memref<4096xi32, #tpu.memory_space<vmem>>, vector<16xi32>,
        tpu.vector_store %arg5[%parallel_loop3A_900], %parallel_loop3A_895 {strides = array<i32>} : memref<4096xi32, #tpu.memory_space<vmem>>, vector<16xi32>,
        %parallel_loop3A_902 = arith.constant 24 : i32
        %parallel_loop3A_903 = vector.broadcast %parallel_loop3A_902 : i32 to vector<16xi32>
        %parallel_loop3A_904 = arith.shrsi %parallel_loop3A_895, %parallel_loop3A_903 : vector<16xi32>
        %parallel_loop3A_905 = arith.constant 15 : i32
        %parallel_loop3A_906 = vector.broadcast %parallel_loop3A_905 : i32 to vector<16xi32>
        %parallel_loop3A_907 = arith.andi %parallel_loop3A_904, %parallel_loop3A_906 : vector<16xi32>
        %parallel_loop3A_908 = arith.constant 4 : i32
        %parallel_loop3A_909 = vector.broadcast %parallel_loop3A_908 : i32 to vector<16xi32>
        %parallel_loop3A_910 = arith.shli %parallel_loop3A_907, %parallel_loop3A_909 : vector<16xi32>
        %parallel_loop3A_911 = arith.constant 4 : i32
        %parallel_loop3A_912 = vector.broadcast %parallel_loop3A_911 : i32 to vector<16xi32>
        %parallel_loop3A_913 = arith.shrsi %parallel_loop3A_904, %parallel_loop3A_912 : vector<16xi32>
        %parallel_loop3A_914 = arith.constant 15 : i32
        %parallel_loop3A_915 = vector.broadcast %parallel_loop3A_914 : i32 to vector<16xi32>
        %parallel_loop3A_916 = arith.andi %parallel_loop3A_913, %parallel_loop3A_915 : vector<16xi32>
        %parallel_loop3A_917 = arith.constant 8 : i32
        %parallel_loop3A_918 = vector.broadcast %parallel_loop3A_917 : i32 to vector<16xi32>
        %parallel_loop3A_919 = arith.xori %parallel_loop3A_916, %parallel_loop3A_918 : vector<16xi32>
        %parallel_loop3A_920 = arith.ori %parallel_loop3A_910, %parallel_loop3A_919 : vector<16xi32>
        tpu.vector_store_idx %arg9[%parallel_loop3A_920], %broadcast_in_dim3A_3 {add = true} : memref<256xi32, #tpu.memory_space<vmem>>[vector<16xi32>], vector<16xi32>,
        %parallel_loop3A_921 = arith.constant 2 : i32
        %parallel_loop3A_922 = arith.muli %parallel_loop3A_921, %parallel_loop3A_874 : i32
        %parallel_loop3A_923 = arith.constant 1 : i32
        %parallel_loop3A_924 = arith.addi %parallel_loop3A_922, %parallel_loop3A_923 : i32
        %parallel_loop3A_925 = arith.constant 16 : i32
        %parallel_loop3A_926 = arith.muli %parallel_loop3A_924, %parallel_loop3A_925 : i32
        %parallel_loop3A_927 = arith.index_cast %scan3A_12 : i32 to index
        %parallel_loop3A_928 = arith.index_cast %parallel_loop3A_926 : i32 to index
        %parallel_loop3A_929 = tpu.vector_load %arg4[%parallel_loop3A_927, %parallel_loop3A_928] {strides = array<i32>} : memref<2x4096xf32, #tpu.memory_space<vmem>>, vector<16xf32>,
        %parallel_loop3A_930 = vector.bitcast %parallel_loop3A_929 : vector<16xf32> to vector<16xi32>
        %parallel_loop3A_931 = arith.constant -2147483648 : i32
        %parallel_loop3A_932 = vector.broadcast %parallel_loop3A_931 : i32 to vector<16xi32>
        %parallel_loop3A_933 = arith.cmpi eq, %parallel_loop3A_930, %parallel_loop3A_932 : vector<16xi32>
        %parallel_loop3A_934 = arith.constant 0 : i32
        %parallel_loop3A_935 = vector.broadcast %parallel_loop3A_934 : i32 to vector<16xi32>
        %parallel_loop3A_936 = arith.select %parallel_loop3A_933, %parallel_loop3A_935, %parallel_loop3A_930 : vector<16xi1>, vector<16xi32>
        %parallel_loop3A_937 = arith.constant 0 : i32
        %parallel_loop3A_938 = vector.broadcast %parallel_loop3A_937 : i32 to vector<16xi32>
        %parallel_loop3A_939 = arith.cmpi sge, %parallel_loop3A_936, %parallel_loop3A_938 : vector<16xi32>
        %parallel_loop3A_940 = arith.constant 2147483647 : i32
        %parallel_loop3A_941 = vector.broadcast %parallel_loop3A_940 : i32 to vector<16xi32>
        %parallel_loop3A_942 = arith.xori %parallel_loop3A_936, %parallel_loop3A_941 : vector<16xi32>
        %parallel_loop3A_943 = arith.select %parallel_loop3A_939, %parallel_loop3A_936, %parallel_loop3A_942 : vector<16xi1>, vector<16xi32>
        %parallel_loop3A_944 = arith.constant 2 : i32
        %parallel_loop3A_945 = arith.muli %parallel_loop3A_944, %parallel_loop3A_874 : i32
        %parallel_loop3A_946 = arith.constant 1 : i32
        %parallel_loop3A_947 = arith.addi %parallel_loop3A_945, %parallel_loop3A_946 : i32
        %parallel_loop3A_948 = arith.constant 16 : i32
        %parallel_loop3A_949 = arith.muli %parallel_loop3A_947, %parallel_loop3A_948 : i32
        %parallel_loop3A_950 = arith.index_cast %parallel_loop3A_949 : i32 to index
        %parallel_loop3A_951 = tpu.vector_load %arg5[%parallel_loop3A_950] {strides = array<i32>} : memref<4096xi32, #tpu.memory_space<vmem>>, vector<16xi32>,
        tpu.vector_store %arg5[%parallel_loop3A_950], %parallel_loop3A_943 {strides = array<i32>} : memref<4096xi32, #tpu.memory_space<vmem>>, vector<16xi32>,
        %parallel_loop3A_952 = arith.constant 24 : i32
        %parallel_loop3A_953 = vector.broadcast %parallel_loop3A_952 : i32 to vector<16xi32>
        %parallel_loop3A_954 = arith.shrsi %parallel_loop3A_943, %parallel_loop3A_953 : vector<16xi32>
        %parallel_loop3A_955 = arith.constant 15 : i32
        %parallel_loop3A_956 = vector.broadcast %parallel_loop3A_955 : i32 to vector<16xi32>
        %parallel_loop3A_957 = arith.andi %parallel_loop3A_954, %parallel_loop3A_956 : vector<16xi32>
        %parallel_loop3A_958 = arith.constant 4 : i32
        %parallel_loop3A_959 = vector.broadcast %parallel_loop3A_958 : i32 to vector<16xi32>
        %parallel_loop3A_960 = arith.shli %parallel_loop3A_957, %parallel_loop3A_959 : vector<16xi32>
        %parallel_loop3A_961 = arith.constant 4 : i32
        %parallel_loop3A_962 = vector.broadcast %parallel_loop3A_961 : i32 to vector<16xi32>
        %parallel_loop3A_963 = arith.shrsi %parallel_loop3A_954, %parallel_loop3A_962 : vector<16xi32>
        %parallel_loop3A_964 = arith.constant 15 : i32
        %parallel_loop3A_965 = vector.broadcast %parallel_loop3A_964 : i32 to vector<16xi32>
        %parallel_loop3A_966 = arith.andi %parallel_loop3A_963, %parallel_loop3A_965 : vector<16xi32>
        %parallel_loop3A_967 = arith.constant 8 : i32
        %parallel_loop3A_968 = vector.broadcast %parallel_loop3A_967 : i32 to vector<16xi32>
        %parallel_loop3A_969 = arith.xori %parallel_loop3A_966, %parallel_loop3A_968 : vector<16xi32>
        %parallel_loop3A_970 = arith.ori %parallel_loop3A_960, %parallel_loop3A_969 : vector<16xi32>
        tpu.vector_store_idx %arg10[%parallel_loop3A_970], %broadcast_in_dim3A_3 {add = true} : memref<256xi32, #tpu.memory_space<vmem>>[vector<16xi32>], vector<16xi32>,
      } {sc.loop_unroll_factor = 2 : i64, sc.parallel_access}
      %broadcast_in_dim3A_83 = arith.constant 128 : i32
      %broadcast_in_dim3A_84 = vector.broadcast %broadcast_in_dim3A_83 : i32 to vector<16xi32>
      %iota3A_85 = tpu.iota {dimensions = array<i32: 0>} : vector<16xi32>
      %get3A = arith.constant 0 : index
      %get3A_86 = tpu.vector_load %arg9[%get3A] {strides = array<i32>} : memref<256xi32, #tpu.memory_space<vmem>>, vector<16xi32>,
      %get3A_87 = arith.constant 16 : index
      %get3A_88 = tpu.vector_load %arg9[%get3A_87] {strides = array<i32>} : memref<256xi32, #tpu.memory_space<vmem>>, vector<16xi32>,
      %get3A_89 = arith.constant 32 : index
      %get3A_90 = tpu.vector_load %arg9[%get3A_89] {strides = array<i32>} : memref<256xi32, #tpu.memory_space<vmem>>, vector<16xi32>,
      %get3A_91 = arith.constant 48 : index
      %get3A_92 = tpu.vector_load %arg9[%get3A_91] {strides = array<i32>} : memref<256xi32, #tpu.memory_space<vmem>>, vector<16xi32>,
      %get3A_93 = arith.constant 64 : index
      %get3A_94 = tpu.vector_load %arg9[%get3A_93] {strides = array<i32>} : memref<256xi32, #tpu.memory_space<vmem>>, vector<16xi32>,
      %get3A_95 = arith.constant 80 : index
      %get3A_96 = tpu.vector_load %arg9[%get3A_95] {strides = array<i32>} : memref<256xi32, #tpu.memory_space<vmem>>, vector<16xi32>,
      %get3A_97 = arith.constant 96 : index
      %get3A_98 = tpu.vector_load %arg9[%get3A_97] {strides = array<i32>} : memref<256xi32, #tpu.memory_space<vmem>>, vector<16xi32>,
      %get3A_99 = arith.constant 112 : index
      %get3A_100 = tpu.vector_load %arg9[%get3A_99] {strides = array<i32>} : memref<256xi32, #tpu.memory_space<vmem>>, vector<16xi32>,
      %get3A_101 = arith.constant 128 : index
      %get3A_102 = tpu.vector_load %arg9[%get3A_101] {strides = array<i32>} : memref<256xi32, #tpu.memory_space<vmem>>, vector<16xi32>,
      %get3A_103 = arith.constant 144 : index
      %get3A_104 = tpu.vector_load %arg9[%get3A_103] {strides = array<i32>} : memref<256xi32, #tpu.memory_space<vmem>>, vector<16xi32>,
      %get3A_105 = arith.constant 160 : index
      %get3A_106 = tpu.vector_load %arg9[%get3A_105] {strides = array<i32>} : memref<256xi32, #tpu.memory_space<vmem>>, vector<16xi32>,
      %get3A_107 = arith.constant 176 : index
      %get3A_108 = tpu.vector_load %arg9[%get3A_107] {strides = array<i32>} : memref<256xi32, #tpu.memory_space<vmem>>, vector<16xi32>,
      %get3A_109 = arith.constant 192 : index
      %get3A_110 = tpu.vector_load %arg9[%get3A_109] {strides = array<i32>} : memref<256xi32, #tpu.memory_space<vmem>>, vector<16xi32>,
      %get3A_111 = arith.constant 208 : index
      %get3A_112 = tpu.vector_load %arg9[%get3A_111] {strides = array<i32>} : memref<256xi32, #tpu.memory_space<vmem>>, vector<16xi32>,
      %get3A_113 = arith.constant 224 : index
      %get3A_114 = tpu.vector_load %arg9[%get3A_113] {strides = array<i32>} : memref<256xi32, #tpu.memory_space<vmem>>, vector<16xi32>,
      %get3A_115 = arith.constant 240 : index
      %get3A_116 = tpu.vector_load %arg9[%get3A_115] {strides = array<i32>} : memref<256xi32, #tpu.memory_space<vmem>>, vector<16xi32>,
      %get3A_117 = arith.constant 0 : index
      %get3A_118 = tpu.vector_load %arg10[%get3A_117] {strides = array<i32>} : memref<256xi32, #tpu.memory_space<vmem>>, vector<16xi32>,
      %get3A_119 = arith.constant 16 : index
      %get3A_120 = tpu.vector_load %arg10[%get3A_119] {strides = array<i32>} : memref<256xi32, #tpu.memory_space<vmem>>, vector<16xi32>,
      %get3A_121 = arith.constant 32 : index
      %get3A_122 = tpu.vector_load %arg10[%get3A_121] {strides = array<i32>} : memref<256xi32, #tpu.memory_space<vmem>>, vector<16xi32>,
      %get3A_123 = arith.constant 48 : index
      %get3A_124 = tpu.vector_load %arg10[%get3A_123] {strides = array<i32>} : memref<256xi32, #tpu.memory_space<vmem>>, vector<16xi32>,
      %get3A_125 = arith.constant 64 : index
      %get3A_126 = tpu.vector_load %arg10[%get3A_125] {strides = array<i32>} : memref<256xi32, #tpu.memory_space<vmem>>, vector<16xi32>,
      %get3A_127 = arith.constant 80 : index
      %get3A_128 = tpu.vector_load %arg10[%get3A_127] {strides = array<i32>} : memref<256xi32, #tpu.memory_space<vmem>>, vector<16xi32>,
      %get3A_129 = arith.constant 96 : index
      %get3A_130 = tpu.vector_load %arg10[%get3A_129] {strides = array<i32>} : memref<256xi32, #tpu.memory_space<vmem>>, vector<16xi32>,
      %get3A_131 = arith.constant 112 : index
      %get3A_132 = tpu.vector_load %arg10[%get3A_131] {strides = array<i32>} : memref<256xi32, #tpu.memory_space<vmem>>, vector<16xi32>,
      %get3A_133 = arith.constant 128 : index
      %get3A_134 = tpu.vector_load %arg10[%get3A_133] {strides = array<i32>} : memref<256xi32, #tpu.memory_space<vmem>>, vector<16xi32>,
      %get3A_135 = arith.constant 144 : index
      %get3A_136 = tpu.vector_load %arg10[%get3A_135] {strides = array<i32>} : memref<256xi32, #tpu.memory_space<vmem>>, vector<16xi32>,
      %get3A_137 = arith.constant 160 : index
      %get3A_138 = tpu.vector_load %arg10[%get3A_137] {strides = array<i32>} : memref<256xi32, #tpu.memory_space<vmem>>, vector<16xi32>,
      %get3A_139 = arith.constant 176 : index
      %get3A_140 = tpu.vector_load %arg10[%get3A_139] {strides = array<i32>} : memref<256xi32, #tpu.memory_space<vmem>>, vector<16xi32>,
      %get3A_141 = arith.constant 192 : index
      %get3A_142 = tpu.vector_load %arg10[%get3A_141] {strides = array<i32>} : memref<256xi32, #tpu.memory_space<vmem>>, vector<16xi32>,
      %get3A_143 = arith.constant 208 : index
      %get3A_144 = tpu.vector_load %arg10[%get3A_143] {strides = array<i32>} : memref<256xi32, #tpu.memory_space<vmem>>, vector<16xi32>,
      %get3A_145 = arith.constant 224 : index
      %get3A_146 = tpu.vector_load %arg10[%get3A_145] {strides = array<i32>} : memref<256xi32, #tpu.memory_space<vmem>>, vector<16xi32>,
      %get3A_147 = arith.constant 240 : index
      %get3A_148 = tpu.vector_load %arg10[%get3A_147] {strides = array<i32>} : memref<256xi32, #tpu.memory_space<vmem>>, vector<16xi32>,
      %add3A_149 = arith.addi %get3A_86, %get3A_88 : vector<16xi32>
      %add3A_150 = arith.addi %get3A_90, %get3A_92 : vector<16xi32>
      %add3A_151 = arith.addi %get3A_94, %get3A_96 : vector<16xi32>
      %add3A_152 = arith.addi %get3A_98, %get3A_100 : vector<16xi32>
      %add3A_153 = arith.addi %get3A_102, %get3A_104 : vector<16xi32>
      %add3A_154 = arith.addi %get3A_106, %get3A_108 : vector<16xi32>
      %add3A_155 = arith.addi %get3A_110, %get3A_112 : vector<16xi32>
      %add3A_156 = arith.addi %get3A_114, %get3A_116 : vector<16xi32>
      %add3A_157 = arith.addi %get3A_118, %get3A_120 : vector<16xi32>
      %add3A_158 = arith.addi %get3A_122, %get3A_124 : vector<16xi32>
      %add3A_159 = arith.addi %get3A_126, %get3A_128 : vector<16xi32>
      %add3A_160 = arith.addi %get3A_130, %get3A_132 : vector<16xi32>
      %add3A_161 = arith.addi %get3A_134, %get3A_136 : vector<16xi32>
      %add3A_162 = arith.addi %get3A_138, %get3A_140 : vector<16xi32>
      %add3A_163 = arith.addi %get3A_142, %get3A_144 : vector<16xi32>
      %add3A_164 = arith.addi %get3A_146, %get3A_148 : vector<16xi32>
      %add3A_165 = arith.addi %add3A_149, %add3A_150 : vector<16xi32>
      %add3A_166 = arith.addi %add3A_151, %add3A_152 : vector<16xi32>
      %add3A_167 = arith.addi %add3A_153, %add3A_154 : vector<16xi32>
      %add3A_168 = arith.addi %add3A_155, %add3A_156 : vector<16xi32>
      %add3A_169 = arith.addi %add3A_157, %add3A_158 : vector<16xi32>
      %add3A_170 = arith.addi %add3A_159, %add3A_160 : vector<16xi32>
      %add3A_171 = arith.addi %add3A_161, %add3A_162 : vector<16xi32>
      %add3A_172 = arith.addi %add3A_163, %add3A_164 : vector<16xi32>
      %add3A_173 = arith.addi %add3A_165, %add3A_166 : vector<16xi32>
      %add3A_174 = arith.addi %add3A_167, %add3A_168 : vector<16xi32>
      %add3A_175 = arith.addi %add3A_169, %add3A_170 : vector<16xi32>
      %add3A_176 = arith.addi %add3A_171, %add3A_172 : vector<16xi32>
      %add3A_177 = arith.addi %add3A_173, %add3A_174 : vector<16xi32>
      %add3A_178 = arith.addi %add3A_175, %add3A_176 : vector<16xi32>
      %add3A_179 = arith.addi %add3A_177, %add3A_178 : vector<16xi32>
      %rev3A = arith.constant 15 : i32
      %rev3A_180 = vector.broadcast %rev3A : i32 to vector<16xi32>
      %rev3A_181 = tpu.iota {dimensions = array<i32: 0>} : vector<16xi32>
      %rev3A_182 = arith.subi %rev3A_180, %rev3A_181 : vector<16xi32>
      %rev3A_183 = tpu.dynamic_gather %add3A_179[%rev3A_182] in [0] : vector<16xi32>, vector<16xi32> -> vector<16xi32>
      %broadcast_in_dim3A_184 = arith.constant true
      %broadcast_in_dim3A_185 = vector.broadcast %broadcast_in_dim3A_184 : i1 to vector<16xi1>
      %masked_cumsum3A = tpu.scan <sum>, %rev3A_183 masked %broadcast_in_dim3A_185 : vector<16xi32>, vector<16xi1> -> vector<16xi32>
      %rev3A_186 = arith.constant 15 : i32
      %rev3A_187 = vector.broadcast %rev3A_186 : i32 to vector<16xi32>
      %rev3A_188 = tpu.iota {dimensions = array<i32: 0>} : vector<16xi32>
      %rev3A_189 = arith.subi %rev3A_187, %rev3A_188 : vector<16xi32>
      %rev3A_190 = tpu.dynamic_gather %masked_cumsum3A[%rev3A_189] in [0] : vector<16xi32>, vector<16xi32> -> vector<16xi32>
      %ge3A = arith.cmpi sge, %rev3A_190, %broadcast_in_dim3A_84 : vector<16xi32>
      %all_reduce_population_count3A = tpu.all_reduce %ge3A {dim = 0 : i64, kind = #tpu.reduction_kind<sum>} : vector<16xi1> -> vector<16xi32>
      %sub3A = arith.constant 1 : i32
      %sub3A_191 = vector.broadcast %sub3A : i32 to vector<16xi32>
      %sub3A_192 = arith.subi %all_reduce_population_count3A, %sub3A_191 : vector<16xi32>
      %max3A = arith.constant 0 : i32
      %max3A_193 = vector.broadcast %max3A : i32 to vector<16xi32>
      %max3A_194 = arith.maxsi %sub3A_192, %max3A_193 : vector<16xi32>
      %reshape3A = vector.shape_cast %max3A_194 : vector<16xi32> to vector<16x1xi32>
      %gather3A = vector.shape_cast %reshape3A : vector<16x1xi32> to vector<16xi32>
      %gather3A_195 = tpu.dynamic_gather %rev3A_190[%gather3A] in [0] : vector<16xi32>, vector<16xi32> -> vector<16xi32>
      %reshape3A_196 = vector.shape_cast %max3A_194 : vector<16xi32> to vector<16x1xi32>
      %gather3A_197 = vector.shape_cast %reshape3A_196 : vector<16x1xi32> to vector<16xi32>
      %gather3A_198 = tpu.dynamic_gather %add3A_179[%gather3A_197] in [0] : vector<16xi32>, vector<16xi32> -> vector<16xi32>
      %sub3A_199 = arith.subi %gather3A_195, %gather3A_198 : vector<16xi32>
      %mul3A_200 = arith.constant 16 : i32
      %mul3A_201 = vector.broadcast %mul3A_200 : i32 to vector<16xi32>
      %mul3A_202 = arith.muli %iota3A_85, %mul3A_201 : vector<16xi32>
      %add3A_203 = arith.addi %mul3A_202, %max3A_194 : vector<16xi32>
      %gather3A_204 = tpu.vector_load_idx %arg9[%add3A_203] : memref<256xi32, #tpu.memory_space<vmem>>[vector<16xi32>], vector<16xi32>,
      %mul3A_205 = arith.constant 16 : i32
      %mul3A_206 = vector.broadcast %mul3A_205 : i32 to vector<16xi32>
      %mul3A_207 = arith.muli %iota3A_85, %mul3A_206 : vector<16xi32>
      %add3A_208 = arith.addi %mul3A_207, %max3A_194 : vector<16xi32>
      %gather3A_209 = tpu.vector_load_idx %arg10[%add3A_208] : memref<256xi32, #tpu.memory_space<vmem>>[vector<16xi32>], vector<16xi32>,
      %add3A_210 = arith.addi %gather3A_204, %gather3A_209 : vector<16xi32>
      %rev3A_211 = arith.constant 15 : i32
      %rev3A_212 = vector.broadcast %rev3A_211 : i32 to vector<16xi32>
      %rev3A_213 = tpu.iota {dimensions = array<i32: 0>} : vector<16xi32>
      %rev3A_214 = arith.subi %rev3A_212, %rev3A_213 : vector<16xi32>
      %rev3A_215 = tpu.dynamic_gather %add3A_210[%rev3A_214] in [0] : vector<16xi32>, vector<16xi32> -> vector<16xi32>
      %broadcast_in_dim3A_216 = arith.constant true
      %broadcast_in_dim3A_217 = vector.broadcast %broadcast_in_dim3A_216 : i1 to vector<16xi1>
      %masked_cumsum3A_218 = tpu.scan <sum>, %rev3A_215 masked %broadcast_in_dim3A_217 : vector<16xi32>, vector<16xi1> -> vector<16xi32>
      %rev3A_219 = arith.constant 15 : i32
      %rev3A_220 = vector.broadcast %rev3A_219 : i32 to vector<16xi32>
      %rev3A_221 = tpu.iota {dimensions = array<i32: 0>} : vector<16xi32>
      %rev3A_222 = arith.subi %rev3A_220, %rev3A_221 : vector<16xi32>
      %rev3A_223 = tpu.dynamic_gather %masked_cumsum3A_218[%rev3A_222] in [0] : vector<16xi32>, vector<16xi32> -> vector<16xi32>
      %add3A_224 = arith.addi %rev3A_223, %sub3A_199 : vector<16xi32>
      %ge3A_225 = arith.cmpi sge, %add3A_224, %broadcast_in_dim3A_84 : vector<16xi32>
      %all_reduce_population_count3A_226 = tpu.all_reduce %ge3A_225 {dim = 0 : i64, kind = #tpu.reduction_kind<sum>} : vector<16xi1> -> vector<16xi32>
      %sub3A_227 = arith.constant 1 : i32
      %sub3A_228 = vector.broadcast %sub3A_227 : i32 to vector<16xi32>
      %sub3A_229 = arith.subi %all_reduce_population_count3A_226, %sub3A_228 : vector<16xi32>
      %max3A_230 = arith.constant 0 : i32
      %max3A_231 = vector.broadcast %max3A_230 : i32 to vector<16xi32>
      %max3A_232 = arith.maxsi %sub3A_229, %max3A_231 : vector<16xi32>
      %reshape3A_233 = vector.shape_cast %max3A_232 : vector<16xi32> to vector<16x1xi32>
      %gather3A_234 = vector.shape_cast %reshape3A_233 : vector<16x1xi32> to vector<16xi32>
      %gather3A_235 = tpu.dynamic_gather %add3A_224[%gather3A_234] in [0] : vector<16xi32>, vector<16xi32> -> vector<16xi32>
      %reshape3A_236 = vector.shape_cast %max3A_232 : vector<16xi32> to vector<16x1xi32>
      %gather3A_237 = vector.shape_cast %reshape3A_236 : vector<16x1xi32> to vector<16xi32>
      %gather3A_238 = tpu.dynamic_gather %add3A_210[%gather3A_237] in [0] : vector<16xi32>, vector<16xi32> -> vector<16xi32>
      %mul3A_239 = arith.constant 16 : i32
      %mul3A_240 = vector.broadcast %mul3A_239 : i32 to vector<16xi32>
      %mul3A_241 = arith.muli %max3A_194, %mul3A_240 : vector<16xi32>
      %add3A_242 = arith.addi %mul3A_241, %max3A_232 : vector<16xi32>
      %sub3A_243 = arith.subi %gather3A_235, %gather3A_238 : vector<16xi32>
      %sub3A_244 = arith.subi %broadcast_in_dim3A_84, %sub3A_243 : vector<16xi32>
      %sub3A_245 = arith.constant 128 : i32
      %sub3A_246 = vector.broadcast %sub3A_245 : i32 to vector<16xi32>
      %sub3A_247 = arith.subi %add3A_242, %sub3A_246 : vector<16xi32>
      %parallel_loop3A_248 = arith.constant 0 : i32
      %parallel_loop3A_249 = arith.constant 256 : i32
      %parallel_loop3A_250 = arith.constant 1 : i32
      %parallel_loop3A_251 = scf.for %parallel_loop3A_874 = %parallel_loop3A_248 to %parallel_loop3A_249 step %parallel_loop3A_250 iter_args(%parallel_loop3A_875 = %broadcast_in_dim3A_5) -> (vector<16xi32>)  : i32 {
        %parallel_loop3A_876 = arith.constant 16 : i32
        %parallel_loop3A_877 = arith.muli %parallel_loop3A_874, %parallel_loop3A_876 : i32
        %parallel_loop3A_878 = arith.index_cast %parallel_loop3A_877 : i32 to index
        %parallel_loop3A_879 = tpu.vector_load %arg5[%parallel_loop3A_878] {strides = array<i32>} : memref<4096xi32, #tpu.memory_space<vmem>>, vector<16xi32>,
        %parallel_loop3A_880 = arith.constant 24 : i32
        %parallel_loop3A_881 = vector.broadcast %parallel_loop3A_880 : i32 to vector<16xi32>
        %parallel_loop3A_882 = arith.shrsi %parallel_loop3A_879, %parallel_loop3A_881 : vector<16xi32>
        %parallel_loop3A_883 = arith.cmpi eq, %parallel_loop3A_882, %sub3A_247 : vector<16xi32>
        %parallel_loop3A_884 = arith.extui %parallel_loop3A_883 : vector<16xi1> to vector<16xi32>
        %parallel_loop3A_885 = arith.constant true
        %parallel_loop3A_886 = vector.broadcast %parallel_loop3A_885 : i1 to vector<16xi1>
        %parallel_loop3A_887 = tpu.scan <sum>, %parallel_loop3A_884 masked %parallel_loop3A_886 : vector<16xi32>, vector<16xi1> -> vector<16xi32>
        %parallel_loop3A_888 = arith.addi %parallel_loop3A_875, %parallel_loop3A_887 : vector<16xi32>
        %parallel_loop3A_889 = arith.constant 1 : i32
        %parallel_loop3A_890 = vector.broadcast %parallel_loop3A_889 : i32 to vector<16xi32>
        %parallel_loop3A_891 = arith.subi %parallel_loop3A_888, %parallel_loop3A_890 : vector<16xi32>
        tpu.vector_store_idx %arg6[%parallel_loop3A_891], %parallel_loop3A_879 masked %parallel_loop3A_883 : memref<4096xi32, #tpu.memory_space<vmem>>[vector<16xi32>], vector<16xi32>, vector<16xi1>
        %parallel_loop3A_892 = tpu.all_reduce %parallel_loop3A_883 {dim = 0 : i64, kind = #tpu.reduction_kind<sum>} : vector<16xi1> -> vector<16xi32>
        %parallel_loop3A_893 = arith.addi %parallel_loop3A_875, %parallel_loop3A_892 : vector<16xi32>
        scf.yield %parallel_loop3A_893 : vector<16xi32>
      } {sc.loop_unroll_factor = 1 : i64, sc.parallel_access}
      %reduce_max3A = arith.constant true
      %reduce_max3A_252 = vector.broadcast %reduce_max3A : i1 to vector<16xi1>
      %reduce_max3A_253 = arith.constant -2147483648 : i32
      %reduce_max3A_254 = vector.broadcast %reduce_max3A_253 : i32 to vector<16xi32>
      %reduce_max3A_255 = arith.xori %gather3A_238, %reduce_max3A_254 : vector<16xi32>
      %reduce_max3A_256 = tpu.scan <max>, %reduce_max3A_255 masked %reduce_max3A_252 : vector<16xi32>, vector<16xi1> -> vector<16xi32>
      %reduce_max3A_257 = arith.xori %reduce_max3A_256, %reduce_max3A_254 : vector<16xi32>
      %reduce_max3A_258 = vector.extract %reduce_max3A_257[15] : i32 from vector<16xi32>
      %le3A = arith.constant 16 : i32
      %le3A_259 = arith.cmpi sle, %reduce_max3A_258, %le3A : i32
      %add3A_260 = arith.constant 15 : i32
      %add3A_261 = arith.addi %reduce_max3A_258, %add3A_260 : i32
      %jit3A = arith.constant 16 : i32
      %div3A = arith.divsi %add3A_261, %jit3A : i32
      %sign3A = arith.constant 0 : i32
      %sign3A_262 = arith.cmpi sgt, %add3A_261, %sign3A : i32
      %sign3A_263 = arith.extui %sign3A_262 : i1 to i32
      %sign3A_264 = arith.constant 0 : i32
      %sign3A_265 = arith.cmpi slt, %add3A_261, %sign3A_264 : i32
      %sign3A_266 = arith.extui %sign3A_265 : i1 to i32
      %sign3A_267 = arith.subi %sign3A_263, %sign3A_266 : i32
      %sign3A_268 = arith.constant 0 : i32
      %sign3A_269 = arith.cmpi sgt, %jit3A, %sign3A_268 : i32
      %sign3A_270 = arith.extui %sign3A_269 : i1 to i32
      %sign3A_271 = arith.constant 0 : i32
      %sign3A_272 = arith.cmpi slt, %jit3A, %sign3A_271 : i32
      %sign3A_273 = arith.extui %sign3A_272 : i1 to i32
      %sign3A_274 = arith.subi %sign3A_270, %sign3A_273 : i32
      %ne3A = arith.cmpi ne, %sign3A_267, %sign3A_274 : i32
      %rem3A = arith.remsi %add3A_261, %jit3A : i32
      %ne3A_275 = arith.constant 0 : i32
      %ne3A_276 = arith.cmpi ne, %rem3A, %ne3A_275 : i32
      %and3A = arith.andi %ne3A, %ne3A_276 : i1
      %sub3A_277 = arith.constant 1 : i32
      %sub3A_278 = arith.subi %div3A, %sub3A_277 : i32
      %select_n3A = arith.select %and3A, %sub3A_278, %div3A : i32
      %jit3A_279 = arith.constant 0 : i32
      %select_n3A_280 = arith.select %le3A_259, %jit3A_279, %select_n3A : i32
      %broadcast_in_dim3A_281 = arith.constant 0 : i32
      %broadcast_in_dim3A_282 = vector.broadcast %broadcast_in_dim3A_281 : i32 to vector<16xi32>
      %swap3A_283 = arith.constant 0 : index
      %swap3A_284 = tpu.vector_load %arg9[%swap3A_283] {strides = array<i32>} : memref<256xi32, #tpu.memory_space<vmem>>, vector<16xi32>,
      tpu.vector_store %arg9[%swap3A_283], %broadcast_in_dim3A_282 {strides = array<i32>} : memref<256xi32, #tpu.memory_space<vmem>>, vector<16xi32>,
      %swap3A_285 = arith.constant 16 : index
      %swap3A_286 = tpu.vector_load %arg9[%swap3A_285] {strides = array<i32>} : memref<256xi32, #tpu.memory_space<vmem>>, vector<16xi32>,
      tpu.vector_store %arg9[%swap3A_285], %broadcast_in_dim3A_282 {strides = array<i32>} : memref<256xi32, #tpu.memory_space<vmem>>, vector<16xi32>,
      %swap3A_287 = arith.constant 32 : index
      %swap3A_288 = tpu.vector_load %arg9[%swap3A_287] {strides = array<i32>} : memref<256xi32, #tpu.memory_space<vmem>>, vector<16xi32>,
      tpu.vector_store %arg9[%swap3A_287], %broadcast_in_dim3A_282 {strides = array<i32>} : memref<256xi32, #tpu.memory_space<vmem>>, vector<16xi32>,
      %swap3A_289 = arith.constant 48 : index
      %swap3A_290 = tpu.vector_load %arg9[%swap3A_289] {strides = array<i32>} : memref<256xi32, #tpu.memory_space<vmem>>, vector<16xi32>,
      tpu.vector_store %arg9[%swap3A_289], %broadcast_in_dim3A_282 {strides = array<i32>} : memref<256xi32, #tpu.memory_space<vmem>>, vector<16xi32>,
      %swap3A_291 = arith.constant 64 : index
      %swap3A_292 = tpu.vector_load %arg9[%swap3A_291] {strides = array<i32>} : memref<256xi32, #tpu.memory_space<vmem>>, vector<16xi32>,
      tpu.vector_store %arg9[%swap3A_291], %broadcast_in_dim3A_282 {strides = array<i32>} : memref<256xi32, #tpu.memory_space<vmem>>, vector<16xi32>,
      %swap3A_293 = arith.constant 80 : index
      %swap3A_294 = tpu.vector_load %arg9[%swap3A_293] {strides = array<i32>} : memref<256xi32, #tpu.memory_space<vmem>>, vector<16xi32>,
      tpu.vector_store %arg9[%swap3A_293], %broadcast_in_dim3A_282 {strides = array<i32>} : memref<256xi32, #tpu.memory_space<vmem>>, vector<16xi32>,
      %swap3A_295 = arith.constant 96 : index
      %swap3A_296 = tpu.vector_load %arg9[%swap3A_295] {strides = array<i32>} : memref<256xi32, #tpu.memory_space<vmem>>, vector<16xi32>,
      tpu.vector_store %arg9[%swap3A_295], %broadcast_in_dim3A_282 {strides = array<i32>} : memref<256xi32, #tpu.memory_space<vmem>>, vector<16xi32>,
      %swap3A_297 = arith.constant 112 : index
      %swap3A_298 = tpu.vector_load %arg9[%swap3A_297] {strides = array<i32>} : memref<256xi32, #tpu.memory_space<vmem>>, vector<16xi32>,
      tpu.vector_store %arg9[%swap3A_297], %broadcast_in_dim3A_282 {strides = array<i32>} : memref<256xi32, #tpu.memory_space<vmem>>, vector<16xi32>,
      %swap3A_299 = arith.constant 128 : index
      %swap3A_300 = tpu.vector_load %arg9[%swap3A_299] {strides = array<i32>} : memref<256xi32, #tpu.memory_space<vmem>>, vector<16xi32>,
      tpu.vector_store %arg9[%swap3A_299], %broadcast_in_dim3A_282 {strides = array<i32>} : memref<256xi32, #tpu.memory_space<vmem>>, vector<16xi32>,
      %swap3A_301 = arith.constant 144 : index
      %swap3A_302 = tpu.vector_load %arg9[%swap3A_301] {strides = array<i32>} : memref<256xi32, #tpu.memory_space<vmem>>, vector<16xi32>,
      tpu.vector_store %arg9[%swap3A_301], %broadcast_in_dim3A_282 {strides = array<i32>} : memref<256xi32, #tpu.memory_space<vmem>>, vector<16xi32>,
      %swap3A_303 = arith.constant 160 : index
      %swap3A_304 = tpu.vector_load %arg9[%swap3A_303] {strides = array<i32>} : memref<256xi32, #tpu.memory_space<vmem>>, vector<16xi32>,
      tpu.vector_store %arg9[%swap3A_303], %broadcast_in_dim3A_282 {strides = array<i32>} : memref<256xi32, #tpu.memory_space<vmem>>, vector<16xi32>,
      %swap3A_305 = arith.constant 176 : index
      %swap3A_306 = tpu.vector_load %arg9[%swap3A_305] {strides = array<i32>} : memref<256xi32, #tpu.memory_space<vmem>>, vector<16xi32>,
      tpu.vector_store %arg9[%swap3A_305], %broadcast_in_dim3A_282 {strides = array<i32>} : memref<256xi32, #tpu.memory_space<vmem>>, vector<16xi32>,
      %swap3A_307 = arith.constant 192 : index
      %swap3A_308 = tpu.vector_load %arg9[%swap3A_307] {strides = array<i32>} : memref<256xi32, #tpu.memory_space<vmem>>, vector<16xi32>,
      tpu.vector_store %arg9[%swap3A_307], %broadcast_in_dim3A_282 {strides = array<i32>} : memref<256xi32, #tpu.memory_space<vmem>>, vector<16xi32>,
      %swap3A_309 = arith.constant 208 : index
      %swap3A_310 = tpu.vector_load %arg9[%swap3A_309] {strides = array<i32>} : memref<256xi32, #tpu.memory_space<vmem>>, vector<16xi32>,
      tpu.vector_store %arg9[%swap3A_309], %broadcast_in_dim3A_282 {strides = array<i32>} : memref<256xi32, #tpu.memory_space<vmem>>, vector<16xi32>,
      %swap3A_311 = arith.constant 224 : index
      %swap3A_312 = tpu.vector_load %arg9[%swap3A_311] {strides = array<i32>} : memref<256xi32, #tpu.memory_space<vmem>>, vector<16xi32>,
      tpu.vector_store %arg9[%swap3A_311], %broadcast_in_dim3A_282 {strides = array<i32>} : memref<256xi32, #tpu.memory_space<vmem>>, vector<16xi32>,
      %swap3A_313 = arith.constant 240 : index
      %swap3A_314 = tpu.vector_load %arg9[%swap3A_313] {strides = array<i32>} : memref<256xi32, #tpu.memory_space<vmem>>, vector<16xi32>,
      tpu.vector_store %arg9[%swap3A_313], %broadcast_in_dim3A_282 {strides = array<i32>} : memref<256xi32, #tpu.memory_space<vmem>>, vector<16xi32>,
      %parallel_loop3A_315 = arith.constant 0 : i32
      %parallel_loop3A_316 = arith.constant 1 : i32
      scf.for %parallel_loop3A_874 = %parallel_loop3A_315 to %select_n3A_280 step %parallel_loop3A_316  : i32 {
        %parallel_loop3A_875 = arith.constant 16 : i32
        %parallel_loop3A_876 = arith.muli %parallel_loop3A_874, %parallel_loop3A_875 : i32
        %parallel_loop3A_877 = arith.index_cast %parallel_loop3A_876 : i32 to index
        %parallel_loop3A_878 = tpu.vector_load %arg6[%parallel_loop3A_877] {strides = array<i32>} : memref<4096xi32, #tpu.memory_space<vmem>>, vector<16xi32>,
        %parallel_loop3A_879 = arith.constant 16 : i32
        %parallel_loop3A_880 = arith.muli %parallel_loop3A_874, %parallel_loop3A_879 : i32
        %parallel_loop3A_881 = vector.broadcast %parallel_loop3A_880 : i32 to vector<16xi32>
        %parallel_loop3A_882 = arith.addi %parallel_loop3A_881, %iota3A : vector<16xi32>
        %parallel_loop3A_883 = vector.broadcast %reduce_max3A_258 : i32 to vector<16xi32>
        %parallel_loop3A_884 = arith.cmpi slt, %parallel_loop3A_882, %parallel_loop3A_883 : vector<16xi32>
        %parallel_loop3A_885 = arith.constant 16 : i32
        %parallel_loop3A_886 = vector.broadcast %parallel_loop3A_885 : i32 to vector<16xi32>
        %parallel_loop3A_887 = arith.shrsi %parallel_loop3A_878, %parallel_loop3A_886 : vector<16xi32>
        %parallel_loop3A_888 = arith.constant 15 : i32
        %parallel_loop3A_889 = vector.broadcast %parallel_loop3A_888 : i32 to vector<16xi32>
        %parallel_loop3A_890 = arith.andi %parallel_loop3A_887, %parallel_loop3A_889 : vector<16xi32>
        %parallel_loop3A_891 = arith.constant 4 : i32
        %parallel_loop3A_892 = vector.broadcast %parallel_loop3A_891 : i32 to vector<16xi32>
        %parallel_loop3A_893 = arith.shli %parallel_loop3A_890, %parallel_loop3A_892 : vector<16xi32>
        %parallel_loop3A_894 = arith.constant 4 : i32
        %parallel_loop3A_895 = vector.broadcast %parallel_loop3A_894 : i32 to vector<16xi32>
        %parallel_loop3A_896 = arith.shrsi %parallel_loop3A_887, %parallel_loop3A_895 : vector<16xi32>
        %parallel_loop3A_897 = arith.constant 15 : i32
        %parallel_loop3A_898 = vector.broadcast %parallel_loop3A_897 : i32 to vector<16xi32>
        %parallel_loop3A_899 = arith.andi %parallel_loop3A_896, %parallel_loop3A_898 : vector<16xi32>
        %parallel_loop3A_900 = arith.ori %parallel_loop3A_893, %parallel_loop3A_899 : vector<16xi32>
        tpu.vector_store_idx %arg9[%parallel_loop3A_900], %broadcast_in_dim3A_3 masked %parallel_loop3A_884 {add = true} : memref<256xi32, #tpu.memory_space<vmem>>[vector<16xi32>], vector<16xi32>, vector<16xi1>
      } {sc.loop_unroll_factor = 1 : i64, sc.parallel_access}
      %iota3A_317 = tpu.iota {dimensions = array<i32: 0>} : vector<16xi32>
      %get3A_318 = arith.constant 0 : index
      %get3A_319 = tpu.vector_load %arg9[%get3A_318] {strides = array<i32>} : memref<256xi32, #tpu.memory_space<vmem>>, vector<16xi32>,
      %get3A_320 = arith.constant 16 : index
      %get3A_321 = tpu.vector_load %arg9[%get3A_320] {strides = array<i32>} : memref<256xi32, #tpu.memory_space<vmem>>, vector<16xi32>,
      %get3A_322 = arith.constant 32 : index
      %get3A_323 = tpu.vector_load %arg9[%get3A_322] {strides = array<i32>} : memref<256xi32, #tpu.memory_space<vmem>>, vector<16xi32>,
      %get3A_324 = arith.constant 48 : index
      %get3A_325 = tpu.vector_load %arg9[%get3A_324] {strides = array<i32>} : memref<256xi32, #tpu.memory_space<vmem>>, vector<16xi32>,
      %get3A_326 = arith.constant 64 : index
      %get3A_327 = tpu.vector_load %arg9[%get3A_326] {strides = array<i32>} : memref<256xi32, #tpu.memory_space<vmem>>, vector<16xi32>,
      %get3A_328 = arith.constant 80 : index
      %get3A_329 = tpu.vector_load %arg9[%get3A_328] {strides = array<i32>} : memref<256xi32, #tpu.memory_space<vmem>>, vector<16xi32>,
      %get3A_330 = arith.constant 96 : index
      %get3A_331 = tpu.vector_load %arg9[%get3A_330] {strides = array<i32>} : memref<256xi32, #tpu.memory_space<vmem>>, vector<16xi32>,
      %get3A_332 = arith.constant 112 : index
      %get3A_333 = tpu.vector_load %arg9[%get3A_332] {strides = array<i32>} : memref<256xi32, #tpu.memory_space<vmem>>, vector<16xi32>,
      %get3A_334 = arith.constant 128 : index
      %get3A_335 = tpu.vector_load %arg9[%get3A_334] {strides = array<i32>} : memref<256xi32, #tpu.memory_space<vmem>>, vector<16xi32>,
      %get3A_336 = arith.constant 144 : index
      %get3A_337 = tpu.vector_load %arg9[%get3A_336] {strides = array<i32>} : memref<256xi32, #tpu.memory_space<vmem>>, vector<16xi32>,
      %get3A_338 = arith.constant 160 : index
      %get3A_339 = tpu.vector_load %arg9[%get3A_338] {strides = array<i32>} : memref<256xi32, #tpu.memory_space<vmem>>, vector<16xi32>,
      %get3A_340 = arith.constant 176 : index
      %get3A_341 = tpu.vector_load %arg9[%get3A_340] {strides = array<i32>} : memref<256xi32, #tpu.memory_space<vmem>>, vector<16xi32>,
      %get3A_342 = arith.constant 192 : index
      %get3A_343 = tpu.vector_load %arg9[%get3A_342] {strides = array<i32>} : memref<256xi32, #tpu.memory_space<vmem>>, vector<16xi32>,
      %get3A_344 = arith.constant 208 : index
      %get3A_345 = tpu.vector_load %arg9[%get3A_344] {strides = array<i32>} : memref<256xi32, #tpu.memory_space<vmem>>, vector<16xi32>,
      %get3A_346 = arith.constant 224 : index
      %get3A_347 = tpu.vector_load %arg9[%get3A_346] {strides = array<i32>} : memref<256xi32, #tpu.memory_space<vmem>>, vector<16xi32>,
      %get3A_348 = arith.constant 240 : index
      %get3A_349 = tpu.vector_load %arg9[%get3A_348] {strides = array<i32>} : memref<256xi32, #tpu.memory_space<vmem>>, vector<16xi32>,
      %add3A_350 = arith.addi %get3A_319, %get3A_321 : vector<16xi32>
      %add3A_351 = arith.addi %get3A_323, %get3A_325 : vector<16xi32>
      %add3A_352 = arith.addi %get3A_327, %get3A_329 : vector<16xi32>
      %add3A_353 = arith.addi %get3A_331, %get3A_333 : vector<16xi32>
      %add3A_354 = arith.addi %get3A_335, %get3A_337 : vector<16xi32>
      %add3A_355 = arith.addi %get3A_339, %get3A_341 : vector<16xi32>
      %add3A_356 = arith.addi %get3A_343, %get3A_345 : vector<16xi32>
      %add3A_357 = arith.addi %get3A_347, %get3A_349 : vector<16xi32>
      %add3A_358 = arith.addi %add3A_350, %add3A_351 : vector<16xi32>
      %add3A_359 = arith.addi %add3A_352, %add3A_353 : vector<16xi32>
      %add3A_360 = arith.addi %add3A_354, %add3A_355 : vector<16xi32>
      %add3A_361 = arith.addi %add3A_356, %add3A_357 : vector<16xi32>
      %add3A_362 = arith.addi %add3A_358, %add3A_359 : vector<16xi32>
      %add3A_363 = arith.addi %add3A_360, %add3A_361 : vector<16xi32>
      %add3A_364 = arith.addi %add3A_362, %add3A_363 : vector<16xi32>
      %rev3A_365 = arith.constant 15 : i32
      %rev3A_366 = vector.broadcast %rev3A_365 : i32 to vector<16xi32>
      %rev3A_367 = tpu.iota {dimensions = array<i32: 0>} : vector<16xi32>
      %rev3A_368 = arith.subi %rev3A_366, %rev3A_367 : vector<16xi32>
      %rev3A_369 = tpu.dynamic_gather %add3A_364[%rev3A_368] in [0] : vector<16xi32>, vector<16xi32> -> vector<16xi32>
      %broadcast_in_dim3A_370 = arith.constant true
      %broadcast_in_dim3A_371 = vector.broadcast %broadcast_in_dim3A_370 : i1 to vector<16xi1>
      %masked_cumsum3A_372 = tpu.scan <sum>, %rev3A_369 masked %broadcast_in_dim3A_371 : vector<16xi32>, vector<16xi1> -> vector<16xi32>
      %rev3A_373 = arith.constant 15 : i32
      %rev3A_374 = vector.broadcast %rev3A_373 : i32 to vector<16xi32>
      %rev3A_375 = tpu.iota {dimensions = array<i32: 0>} : vector<16xi32>
      %rev3A_376 = arith.subi %rev3A_374, %rev3A_375 : vector<16xi32>
      %rev3A_377 = tpu.dynamic_gather %masked_cumsum3A_372[%rev3A_376] in [0] : vector<16xi32>, vector<16xi32> -> vector<16xi32>
      %ge3A_378 = arith.cmpi sge, %rev3A_377, %sub3A_244 : vector<16xi32>
      %all_reduce_population_count3A_379 = tpu.all_reduce %ge3A_378 {dim = 0 : i64, kind = #tpu.reduction_kind<sum>} : vector<16xi1> -> vector<16xi32>
      %sub3A_380 = arith.constant 1 : i32
      %sub3A_381 = vector.broadcast %sub3A_380 : i32 to vector<16xi32>
      %sub3A_382 = arith.subi %all_reduce_population_count3A_379, %sub3A_381 : vector<16xi32>
      %max3A_383 = arith.constant 0 : i32
      %max3A_384 = vector.broadcast %max3A_383 : i32 to vector<16xi32>
      %max3A_385 = arith.maxsi %sub3A_382, %max3A_384 : vector<16xi32>
      %reshape3A_386 = vector.shape_cast %max3A_385 : vector<16xi32> to vector<16x1xi32>
      %gather3A_387 = vector.shape_cast %reshape3A_386 : vector<16x1xi32> to vector<16xi32>
      %gather3A_388 = tpu.dynamic_gather %rev3A_377[%gather3A_387] in [0] : vector<16xi32>, vector<16xi32> -> vector<16xi32>
      %reshape3A_389 = vector.shape_cast %max3A_385 : vector<16xi32> to vector<16x1xi32>
      %gather3A_390 = vector.shape_cast %reshape3A_389 : vector<16x1xi32> to vector<16xi32>
      %gather3A_391 = tpu.dynamic_gather %add3A_364[%gather3A_390] in [0] : vector<16xi32>, vector<16xi32> -> vector<16xi32>
      %sub3A_392 = arith.subi %gather3A_388, %gather3A_391 : vector<16xi32>
      %mul3A_393 = arith.constant 16 : i32
      %mul3A_394 = vector.broadcast %mul3A_393 : i32 to vector<16xi32>
      %mul3A_395 = arith.muli %iota3A_317, %mul3A_394 : vector<16xi32>
      %add3A_396 = arith.addi %mul3A_395, %max3A_385 : vector<16xi32>
      %gather3A_397 = tpu.vector_load_idx %arg9[%add3A_396] : memref<256xi32, #tpu.memory_space<vmem>>[vector<16xi32>], vector<16xi32>,
      %rev3A_398 = arith.constant 15 : i32
      %rev3A_399 = vector.broadcast %rev3A_398 : i32 to vector<16xi32>
      %rev3A_400 = tpu.iota {dimensions = array<i32: 0>} : vector<16xi32>
      %rev3A_401 = arith.subi %rev3A_399, %rev3A_400 : vector<16xi32>
      %rev3A_402 = tpu.dynamic_gather %gather3A_397[%rev3A_401] in [0] : vector<16xi32>, vector<16xi32> -> vector<16xi32>
      %broadcast_in_dim3A_403 = arith.constant true
      %broadcast_in_dim3A_404 = vector.broadcast %broadcast_in_dim3A_403 : i1 to vector<16xi1>
      %masked_cumsum3A_405 = tpu.scan <sum>, %rev3A_402 masked %broadcast_in_dim3A_404 : vector<16xi32>, vector<16xi1> -> vector<16xi32>
      %rev3A_406 = arith.constant 15 : i32
      %rev3A_407 = vector.broadcast %rev3A_406 : i32 to vector<16xi32>
      %rev3A_408 = tpu.iota {dimensions = array<i32: 0>} : vector<16xi32>
      %rev3A_409 = arith.subi %rev3A_407, %rev3A_408 : vector<16xi32>
      %rev3A_410 = tpu.dynamic_gather %masked_cumsum3A_405[%rev3A_409] in [0] : vector<16xi32>, vector<16xi32> -> vector<16xi32>
      %add3A_411 = arith.addi %rev3A_410, %sub3A_392 : vector<16xi32>
      %ge3A_412 = arith.cmpi sge, %add3A_411, %sub3A_244 : vector<16xi32>
      %all_reduce_population_count3A_413 = tpu.all_reduce %ge3A_412 {dim = 0 : i64, kind = #tpu.reduction_kind<sum>} : vector<16xi1> -> vector<16xi32>
      %sub3A_414 = arith.constant 1 : i32
      %sub3A_415 = vector.broadcast %sub3A_414 : i32 to vector<16xi32>
      %sub3A_416 = arith.subi %all_reduce_population_count3A_413, %sub3A_415 : vector<16xi32>
      %max3A_417 = arith.constant 0 : i32
      %max3A_418 = vector.broadcast %max3A_417 : i32 to vector<16xi32>
      %max3A_419 = arith.maxsi %sub3A_416, %max3A_418 : vector<16xi32>
      %reshape3A_420 = vector.shape_cast %max3A_419 : vector<16xi32> to vector<16x1xi32>
      %gather3A_421 = vector.shape_cast %reshape3A_420 : vector<16x1xi32> to vector<16xi32>
      %gather3A_422 = tpu.dynamic_gather %add3A_411[%gather3A_421] in [0] : vector<16xi32>, vector<16xi32> -> vector<16xi32>
      %reshape3A_423 = vector.shape_cast %max3A_419 : vector<16xi32> to vector<16x1xi32>
      %gather3A_424 = vector.shape_cast %reshape3A_423 : vector<16x1xi32> to vector<16xi32>
      %gather3A_425 = tpu.dynamic_gather %gather3A_397[%gather3A_424] in [0] : vector<16xi32>, vector<16xi32> -> vector<16xi32>
      %mul3A_426 = arith.constant 16 : i32
      %mul3A_427 = vector.broadcast %mul3A_426 : i32 to vector<16xi32>
      %mul3A_428 = arith.muli %max3A_385, %mul3A_427 : vector<16xi32>
      %add3A_429 = arith.addi %mul3A_428, %max3A_419 : vector<16xi32>
      %sub3A_430 = arith.subi %gather3A_422, %gather3A_425 : vector<16xi32>
      %sub3A_431 = arith.subi %sub3A_244, %sub3A_430 : vector<16xi32>
      %get3A_432 = arith.constant 0 : index
      %get3A_433 = tpu.vector_load %arg6[%get3A_432] {strides = array<i32>} : memref<4096xi32, #tpu.memory_space<vmem>>, vector<16xi32>,
      %swap3A_434 = arith.constant 0 : index
      %swap3A_435 = tpu.vector_load %arg7[%swap3A_434] {strides = array<i32>} : memref<4096xi32, #tpu.memory_space<vmem>>, vector<16xi32>,
      tpu.vector_store %arg7[%swap3A_434], %get3A_433 {strides = array<i32>} : memref<4096xi32, #tpu.memory_space<vmem>>, vector<16xi32>,
      %parallel_loop3A_436 = arith.constant 0 : i32
      %parallel_loop3A_437 = arith.constant 1 : i32
      %parallel_loop3A_438 = scf.for %parallel_loop3A_874 = %parallel_loop3A_436 to %select_n3A_280 step %parallel_loop3A_437 iter_args(%parallel_loop3A_875 = %broadcast_in_dim3A_5) -> (vector<16xi32>)  : i32 {
        %parallel_loop3A_876 = arith.constant 16 : i32
        %parallel_loop3A_877 = arith.muli %parallel_loop3A_874, %parallel_loop3A_876 : i32
        %parallel_loop3A_878 = arith.index_cast %parallel_loop3A_877 : i32 to index
        %parallel_loop3A_879 = tpu.vector_load %arg6[%parallel_loop3A_878] {strides = array<i32>} : memref<4096xi32, #tpu.memory_space<vmem>>, vector<16xi32>,
        %parallel_loop3A_880 = arith.constant 16 : i32
        %parallel_loop3A_881 = arith.muli %parallel_loop3A_874, %parallel_loop3A_880 : i32
        %parallel_loop3A_882 = vector.broadcast %parallel_loop3A_881 : i32 to vector<16xi32>
        %parallel_loop3A_883 = arith.addi %parallel_loop3A_882, %iota3A : vector<16xi32>
        %parallel_loop3A_884 = vector.broadcast %reduce_max3A_258 : i32 to vector<16xi32>
        %parallel_loop3A_885 = arith.cmpi slt, %parallel_loop3A_883, %parallel_loop3A_884 : vector<16xi32>
        %parallel_loop3A_886 = arith.constant 16 : i32
        %parallel_loop3A_887 = vector.broadcast %parallel_loop3A_886 : i32 to vector<16xi32>
        %parallel_loop3A_888 = arith.shrsi %parallel_loop3A_879, %parallel_loop3A_887 : vector<16xi32>
        %parallel_loop3A_889 = arith.constant 255 : i32
        %parallel_loop3A_890 = vector.broadcast %parallel_loop3A_889 : i32 to vector<16xi32>
        %parallel_loop3A_891 = arith.andi %parallel_loop3A_888, %parallel_loop3A_890 : vector<16xi32>
        %parallel_loop3A_892 = arith.cmpi eq, %parallel_loop3A_891, %add3A_429 : vector<16xi32>
        %parallel_loop3A_893 = arith.andi %parallel_loop3A_892, %parallel_loop3A_885 : vector<16xi1>
        %parallel_loop3A_894 = arith.extui %parallel_loop3A_893 : vector<16xi1> to vector<16xi32>
        %parallel_loop3A_895 = arith.constant true
        %parallel_loop3A_896 = vector.broadcast %parallel_loop3A_895 : i1 to vector<16xi1>
        %parallel_loop3A_897 = tpu.scan <sum>, %parallel_loop3A_894 masked %parallel_loop3A_896 : vector<16xi32>, vector<16xi1> -> vector<16xi32>
        %parallel_loop3A_898 = arith.addi %parallel_loop3A_875, %parallel_loop3A_897 : vector<16xi32>
        %parallel_loop3A_899 = arith.constant 1 : i32
        %parallel_loop3A_900 = vector.broadcast %parallel_loop3A_899 : i32 to vector<16xi32>
        %parallel_loop3A_901 = arith.subi %parallel_loop3A_898, %parallel_loop3A_900 : vector<16xi32>
        tpu.vector_store_idx %arg7[%parallel_loop3A_901], %parallel_loop3A_879 masked %parallel_loop3A_893 : memref<4096xi32, #tpu.memory_space<vmem>>[vector<16xi32>], vector<16xi32>, vector<16xi1>
        %parallel_loop3A_902 = tpu.all_reduce %parallel_loop3A_893 {dim = 0 : i64, kind = #tpu.reduction_kind<sum>} : vector<16xi1> -> vector<16xi32>
        %parallel_loop3A_903 = arith.addi %parallel_loop3A_875, %parallel_loop3A_902 : vector<16xi32>
        scf.yield %parallel_loop3A_903 : vector<16xi32>
      } {sc.loop_unroll_factor = 1 : i64, sc.parallel_access}
      %reduce_max3A_439 = arith.constant true
      %reduce_max3A_440 = vector.broadcast %reduce_max3A_439 : i1 to vector<16xi1>
      %reduce_max3A_441 = arith.constant -2147483648 : i32
      %reduce_max3A_442 = vector.broadcast %reduce_max3A_441 : i32 to vector<16xi32>
      %reduce_max3A_443 = arith.xori %gather3A_425, %reduce_max3A_442 : vector<16xi32>
      %reduce_max3A_444 = tpu.scan <max>, %reduce_max3A_443 masked %reduce_max3A_440 : vector<16xi32>, vector<16xi1> -> vector<16xi32>
      %reduce_max3A_445 = arith.xori %reduce_max3A_444, %reduce_max3A_442 : vector<16xi32>
      %reduce_max3A_446 = vector.extract %reduce_max3A_445[15] : i32 from vector<16xi32>
      %select_n3A_447 = arith.select %le3A_259, %reduce_max3A_258, %reduce_max3A_446 : i32
      %select_n3A_448 = arith.select %le3A_259, %sub3A_244, %sub3A_431 : vector<16xi32>
      %le3A_449 = arith.constant 16 : i32
      %le3A_450 = arith.cmpi sle, %select_n3A_447, %le3A_449 : i32
      %add3A_451 = arith.constant 15 : i32
      %add3A_452 = arith.addi %select_n3A_447, %add3A_451 : i32
      %jit3A_453 = arith.constant 16 : i32
      %div3A_454 = arith.divsi %add3A_452, %jit3A_453 : i32
      %sign3A_455 = arith.constant 0 : i32
      %sign3A_456 = arith.cmpi sgt, %add3A_452, %sign3A_455 : i32
      %sign3A_457 = arith.extui %sign3A_456 : i1 to i32
      %sign3A_458 = arith.constant 0 : i32
      %sign3A_459 = arith.cmpi slt, %add3A_452, %sign3A_458 : i32
      %sign3A_460 = arith.extui %sign3A_459 : i1 to i32
      %sign3A_461 = arith.subi %sign3A_457, %sign3A_460 : i32
      %sign3A_462 = arith.constant 0 : i32
      %sign3A_463 = arith.cmpi sgt, %jit3A_453, %sign3A_462 : i32
      %sign3A_464 = arith.extui %sign3A_463 : i1 to i32
      %sign3A_465 = arith.constant 0 : i32
      %sign3A_466 = arith.cmpi slt, %jit3A_453, %sign3A_465 : i32
      %sign3A_467 = arith.extui %sign3A_466 : i1 to i32
      %sign3A_468 = arith.subi %sign3A_464, %sign3A_467 : i32
      %ne3A_469 = arith.cmpi ne, %sign3A_461, %sign3A_468 : i32
      %rem3A_470 = arith.remsi %add3A_452, %jit3A_453 : i32
      %ne3A_471 = arith.constant 0 : i32
      %ne3A_472 = arith.cmpi ne, %rem3A_470, %ne3A_471 : i32
      %and3A_473 = arith.andi %ne3A_469, %ne3A_472 : i1
      %sub3A_474 = arith.constant 1 : i32
      %sub3A_475 = arith.subi %div3A_454, %sub3A_474 : i32
      %select_n3A_476 = arith.select %and3A_473, %sub3A_475, %div3A_454 : i32
      %jit3A_477 = arith.constant 0 : i32
      %select_n3A_478 = arith.select %le3A_450, %jit3A_477, %select_n3A_476 : i32
      %broadcast_in_dim3A_479 = arith.constant 0 : i32
      %broadcast_in_dim3A_480 = vector.broadcast %broadcast_in_dim3A_479 : i32 to vector<16xi32>
      %swap3A_481 = arith.constant 0 : index
      %swap3A_482 = tpu.vector_load %arg9[%swap3A_481] {strides = array<i32>} : memref<256xi32, #tpu.memory_space<vmem>>, vector<16xi32>,
      tpu.vector_store %arg9[%swap3A_481], %broadcast_in_dim3A_480 {strides = array<i32>} : memref<256xi32, #tpu.memory_space<vmem>>, vector<16xi32>,
      %swap3A_483 = arith.constant 16 : index
      %swap3A_484 = tpu.vector_load %arg9[%swap3A_483] {strides = array<i32>} : memref<256xi32, #tpu.memory_space<vmem>>, vector<16xi32>,
      tpu.vector_store %arg9[%swap3A_483], %broadcast_in_dim3A_480 {strides = array<i32>} : memref<256xi32, #tpu.memory_space<vmem>>, vector<16xi32>,
      %swap3A_485 = arith.constant 32 : index
      %swap3A_486 = tpu.vector_load %arg9[%swap3A_485] {strides = array<i32>} : memref<256xi32, #tpu.memory_space<vmem>>, vector<16xi32>,
      tpu.vector_store %arg9[%swap3A_485], %broadcast_in_dim3A_480 {strides = array<i32>} : memref<256xi32, #tpu.memory_space<vmem>>, vector<16xi32>,
      %swap3A_487 = arith.constant 48 : index
      %swap3A_488 = tpu.vector_load %arg9[%swap3A_487] {strides = array<i32>} : memref<256xi32, #tpu.memory_space<vmem>>, vector<16xi32>,
      tpu.vector_store %arg9[%swap3A_487], %broadcast_in_dim3A_480 {strides = array<i32>} : memref<256xi32, #tpu.memory_space<vmem>>, vector<16xi32>,
      %swap3A_489 = arith.constant 64 : index
      %swap3A_490 = tpu.vector_load %arg9[%swap3A_489] {strides = array<i32>} : memref<256xi32, #tpu.memory_space<vmem>>, vector<16xi32>,
      tpu.vector_store %arg9[%swap3A_489], %broadcast_in_dim3A_480 {strides = array<i32>} : memref<256xi32, #tpu.memory_space<vmem>>, vector<16xi32>,
      %swap3A_491 = arith.constant 80 : index
      %swap3A_492 = tpu.vector_load %arg9[%swap3A_491] {strides = array<i32>} : memref<256xi32, #tpu.memory_space<vmem>>, vector<16xi32>,
      tpu.vector_store %arg9[%swap3A_491], %broadcast_in_dim3A_480 {strides = array<i32>} : memref<256xi32, #tpu.memory_space<vmem>>, vector<16xi32>,
      %swap3A_493 = arith.constant 96 : index
      %swap3A_494 = tpu.vector_load %arg9[%swap3A_493] {strides = array<i32>} : memref<256xi32, #tpu.memory_space<vmem>>, vector<16xi32>,
      tpu.vector_store %arg9[%swap3A_493], %broadcast_in_dim3A_480 {strides = array<i32>} : memref<256xi32, #tpu.memory_space<vmem>>, vector<16xi32>,
      %swap3A_495 = arith.constant 112 : index
      %swap3A_496 = tpu.vector_load %arg9[%swap3A_495] {strides = array<i32>} : memref<256xi32, #tpu.memory_space<vmem>>, vector<16xi32>,
      tpu.vector_store %arg9[%swap3A_495], %broadcast_in_dim3A_480 {strides = array<i32>} : memref<256xi32, #tpu.memory_space<vmem>>, vector<16xi32>,
      %swap3A_497 = arith.constant 128 : index
      %swap3A_498 = tpu.vector_load %arg9[%swap3A_497] {strides = array<i32>} : memref<256xi32, #tpu.memory_space<vmem>>, vector<16xi32>,
      tpu.vector_store %arg9[%swap3A_497], %broadcast_in_dim3A_480 {strides = array<i32>} : memref<256xi32, #tpu.memory_space<vmem>>, vector<16xi32>,
      %swap3A_499 = arith.constant 144 : index
      %swap3A_500 = tpu.vector_load %arg9[%swap3A_499] {strides = array<i32>} : memref<256xi32, #tpu.memory_space<vmem>>, vector<16xi32>,
      tpu.vector_store %arg9[%swap3A_499], %broadcast_in_dim3A_480 {strides = array<i32>} : memref<256xi32, #tpu.memory_space<vmem>>, vector<16xi32>,
      %swap3A_501 = arith.constant 160 : index
      %swap3A_502 = tpu.vector_load %arg9[%swap3A_501] {strides = array<i32>} : memref<256xi32, #tpu.memory_space<vmem>>, vector<16xi32>,
      tpu.vector_store %arg9[%swap3A_501], %broadcast_in_dim3A_480 {strides = array<i32>} : memref<256xi32, #tpu.memory_space<vmem>>, vector<16xi32>,
      %swap3A_503 = arith.constant 176 : index
      %swap3A_504 = tpu.vector_load %arg9[%swap3A_503] {strides = array<i32>} : memref<256xi32, #tpu.memory_space<vmem>>, vector<16xi32>,
      tpu.vector_store %arg9[%swap3A_503], %broadcast_in_dim3A_480 {strides = array<i32>} : memref<256xi32, #tpu.memory_space<vmem>>, vector<16xi32>,
      %swap3A_505 = arith.constant 192 : index
      %swap3A_506 = tpu.vector_load %arg9[%swap3A_505] {strides = array<i32>} : memref<256xi32, #tpu.memory_space<vmem>>, vector<16xi32>,
      tpu.vector_store %arg9[%swap3A_505], %broadcast_in_dim3A_480 {strides = array<i32>} : memref<256xi32, #tpu.memory_space<vmem>>, vector<16xi32>,
      %swap3A_507 = arith.constant 208 : index
      %swap3A_508 = tpu.vector_load %arg9[%swap3A_507] {strides = array<i32>} : memref<256xi32, #tpu.memory_space<vmem>>, vector<16xi32>,
      tpu.vector_store %arg9[%swap3A_507], %broadcast_in_dim3A_480 {strides = array<i32>} : memref<256xi32, #tpu.memory_space<vmem>>, vector<16xi32>,
      %swap3A_509 = arith.constant 224 : index
      %swap3A_510 = tpu.vector_load %arg9[%swap3A_509] {strides = array<i32>} : memref<256xi32, #tpu.memory_space<vmem>>, vector<16xi32>,
      tpu.vector_store %arg9[%swap3A_509], %broadcast_in_dim3A_480 {strides = array<i32>} : memref<256xi32, #tpu.memory_space<vmem>>, vector<16xi32>,
      %swap3A_511 = arith.constant 240 : index
      %swap3A_512 = tpu.vector_load %arg9[%swap3A_511] {strides = array<i32>} : memref<256xi32, #tpu.memory_space<vmem>>, vector<16xi32>,
      tpu.vector_store %arg9[%swap3A_511], %broadcast_in_dim3A_480 {strides = array<i32>} : memref<256xi32, #tpu.memory_space<vmem>>, vector<16xi32>,
      %parallel_loop3A_513 = arith.constant 0 : i32
      %parallel_loop3A_514 = arith.constant 1 : i32
      scf.for %parallel_loop3A_874 = %parallel_loop3A_513 to %select_n3A_478 step %parallel_loop3A_514  : i32 {
        %parallel_loop3A_875 = arith.constant 16 : i32
        %parallel_loop3A_876 = arith.muli %parallel_loop3A_874, %parallel_loop3A_875 : i32
        %parallel_loop3A_877 = arith.index_cast %parallel_loop3A_876 : i32 to index
        %parallel_loop3A_878 = tpu.vector_load %arg7[%parallel_loop3A_877] {strides = array<i32>} : memref<4096xi32, #tpu.memory_space<vmem>>, vector<16xi32>,
        %parallel_loop3A_879 = arith.constant 16 : i32
        %parallel_loop3A_880 = arith.muli %parallel_loop3A_874, %parallel_loop3A_879 : i32
        %parallel_loop3A_881 = vector.broadcast %parallel_loop3A_880 : i32 to vector<16xi32>
        %parallel_loop3A_882 = arith.addi %parallel_loop3A_881, %iota3A : vector<16xi32>
        %parallel_loop3A_883 = vector.broadcast %select_n3A_447 : i32 to vector<16xi32>
        %parallel_loop3A_884 = arith.cmpi slt, %parallel_loop3A_882, %parallel_loop3A_883 : vector<16xi32>
        %parallel_loop3A_885 = arith.constant 8 : i32
        %parallel_loop3A_886 = vector.broadcast %parallel_loop3A_885 : i32 to vector<16xi32>
        %parallel_loop3A_887 = arith.shrsi %parallel_loop3A_878, %parallel_loop3A_886 : vector<16xi32>
        %parallel_loop3A_888 = arith.constant 15 : i32
        %parallel_loop3A_889 = vector.broadcast %parallel_loop3A_888 : i32 to vector<16xi32>
        %parallel_loop3A_890 = arith.andi %parallel_loop3A_887, %parallel_loop3A_889 : vector<16xi32>
        %parallel_loop3A_891 = arith.constant 4 : i32
        %parallel_loop3A_892 = vector.broadcast %parallel_loop3A_891 : i32 to vector<16xi32>
        %parallel_loop3A_893 = arith.shli %parallel_loop3A_890, %parallel_loop3A_892 : vector<16xi32>
        %parallel_loop3A_894 = arith.constant 4 : i32
        %parallel_loop3A_895 = vector.broadcast %parallel_loop3A_894 : i32 to vector<16xi32>
        %parallel_loop3A_896 = arith.shrsi %parallel_loop3A_887, %parallel_loop3A_895 : vector<16xi32>
        %parallel_loop3A_897 = arith.constant 15 : i32
        %parallel_loop3A_898 = vector.broadcast %parallel_loop3A_897 : i32 to vector<16xi32>
        %parallel_loop3A_899 = arith.andi %parallel_loop3A_896, %parallel_loop3A_898 : vector<16xi32>
        %parallel_loop3A_900 = arith.ori %parallel_loop3A_893, %parallel_loop3A_899 : vector<16xi32>
        tpu.vector_store_idx %arg9[%parallel_loop3A_900], %broadcast_in_dim3A_3 masked %parallel_loop3A_884 {add = true} : memref<256xi32, #tpu.memory_space<vmem>>[vector<16xi32>], vector<16xi32>, vector<16xi1>
      } {sc.loop_unroll_factor = 1 : i64, sc.parallel_access}
      %iota3A_515 = tpu.iota {dimensions = array<i32: 0>} : vector<16xi32>
      %get3A_516 = arith.constant 0 : index
      %get3A_517 = tpu.vector_load %arg9[%get3A_516] {strides = array<i32>} : memref<256xi32, #tpu.memory_space<vmem>>, vector<16xi32>,
      %get3A_518 = arith.constant 16 : index
      %get3A_519 = tpu.vector_load %arg9[%get3A_518] {strides = array<i32>} : memref<256xi32, #tpu.memory_space<vmem>>, vector<16xi32>,
      %get3A_520 = arith.constant 32 : index
      %get3A_521 = tpu.vector_load %arg9[%get3A_520] {strides = array<i32>} : memref<256xi32, #tpu.memory_space<vmem>>, vector<16xi32>,
      %get3A_522 = arith.constant 48 : index
      %get3A_523 = tpu.vector_load %arg9[%get3A_522] {strides = array<i32>} : memref<256xi32, #tpu.memory_space<vmem>>, vector<16xi32>,
      %get3A_524 = arith.constant 64 : index
      %get3A_525 = tpu.vector_load %arg9[%get3A_524] {strides = array<i32>} : memref<256xi32, #tpu.memory_space<vmem>>, vector<16xi32>,
      %get3A_526 = arith.constant 80 : index
      %get3A_527 = tpu.vector_load %arg9[%get3A_526] {strides = array<i32>} : memref<256xi32, #tpu.memory_space<vmem>>, vector<16xi32>,
      %get3A_528 = arith.constant 96 : index
      %get3A_529 = tpu.vector_load %arg9[%get3A_528] {strides = array<i32>} : memref<256xi32, #tpu.memory_space<vmem>>, vector<16xi32>,
      %get3A_530 = arith.constant 112 : index
      %get3A_531 = tpu.vector_load %arg9[%get3A_530] {strides = array<i32>} : memref<256xi32, #tpu.memory_space<vmem>>, vector<16xi32>,
      %get3A_532 = arith.constant 128 : index
      %get3A_533 = tpu.vector_load %arg9[%get3A_532] {strides = array<i32>} : memref<256xi32, #tpu.memory_space<vmem>>, vector<16xi32>,
      %get3A_534 = arith.constant 144 : index
      %get3A_535 = tpu.vector_load %arg9[%get3A_534] {strides = array<i32>} : memref<256xi32, #tpu.memory_space<vmem>>, vector<16xi32>,
      %get3A_536 = arith.constant 160 : index
      %get3A_537 = tpu.vector_load %arg9[%get3A_536] {strides = array<i32>} : memref<256xi32, #tpu.memory_space<vmem>>, vector<16xi32>,
      %get3A_538 = arith.constant 176 : index
      %get3A_539 = tpu.vector_load %arg9[%get3A_538] {strides = array<i32>} : memref<256xi32, #tpu.memory_space<vmem>>, vector<16xi32>,
      %get3A_540 = arith.constant 192 : index
      %get3A_541 = tpu.vector_load %arg9[%get3A_540] {strides = array<i32>} : memref<256xi32, #tpu.memory_space<vmem>>, vector<16xi32>,
      %get3A_542 = arith.constant 208 : index
      %get3A_543 = tpu.vector_load %arg9[%get3A_542] {strides = array<i32>} : memref<256xi32, #tpu.memory_space<vmem>>, vector<16xi32>,
      %get3A_544 = arith.constant 224 : index
      %get3A_545 = tpu.vector_load %arg9[%get3A_544] {strides = array<i32>} : memref<256xi32, #tpu.memory_space<vmem>>, vector<16xi32>,
      %get3A_546 = arith.constant 240 : index
      %get3A_547 = tpu.vector_load %arg9[%get3A_546] {strides = array<i32>} : memref<256xi32, #tpu.memory_space<vmem>>, vector<16xi32>,
      %add3A_548 = arith.addi %get3A_517, %get3A_519 : vector<16xi32>
      %add3A_549 = arith.addi %get3A_521, %get3A_523 : vector<16xi32>
      %add3A_550 = arith.addi %get3A_525, %get3A_527 : vector<16xi32>
      %add3A_551 = arith.addi %get3A_529, %get3A_531 : vector<16xi32>
      %add3A_552 = arith.addi %get3A_533, %get3A_535 : vector<16xi32>
      %add3A_553 = arith.addi %get3A_537, %get3A_539 : vector<16xi32>
      %add3A_554 = arith.addi %get3A_541, %get3A_543 : vector<16xi32>
      %add3A_555 = arith.addi %get3A_545, %get3A_547 : vector<16xi32>
      %add3A_556 = arith.addi %add3A_548, %add3A_549 : vector<16xi32>
      %add3A_557 = arith.addi %add3A_550, %add3A_551 : vector<16xi32>
      %add3A_558 = arith.addi %add3A_552, %add3A_553 : vector<16xi32>
      %add3A_559 = arith.addi %add3A_554, %add3A_555 : vector<16xi32>
      %add3A_560 = arith.addi %add3A_556, %add3A_557 : vector<16xi32>
      %add3A_561 = arith.addi %add3A_558, %add3A_559 : vector<16xi32>
      %add3A_562 = arith.addi %add3A_560, %add3A_561 : vector<16xi32>
      %rev3A_563 = arith.constant 15 : i32
      %rev3A_564 = vector.broadcast %rev3A_563 : i32 to vector<16xi32>
      %rev3A_565 = tpu.iota {dimensions = array<i32: 0>} : vector<16xi32>
      %rev3A_566 = arith.subi %rev3A_564, %rev3A_565 : vector<16xi32>
      %rev3A_567 = tpu.dynamic_gather %add3A_562[%rev3A_566] in [0] : vector<16xi32>, vector<16xi32> -> vector<16xi32>
      %broadcast_in_dim3A_568 = arith.constant true
      %broadcast_in_dim3A_569 = vector.broadcast %broadcast_in_dim3A_568 : i1 to vector<16xi1>
      %masked_cumsum3A_570 = tpu.scan <sum>, %rev3A_567 masked %broadcast_in_dim3A_569 : vector<16xi32>, vector<16xi1> -> vector<16xi32>
      %rev3A_571 = arith.constant 15 : i32
      %rev3A_572 = vector.broadcast %rev3A_571 : i32 to vector<16xi32>
      %rev3A_573 = tpu.iota {dimensions = array<i32: 0>} : vector<16xi32>
      %rev3A_574 = arith.subi %rev3A_572, %rev3A_573 : vector<16xi32>
      %rev3A_575 = tpu.dynamic_gather %masked_cumsum3A_570[%rev3A_574] in [0] : vector<16xi32>, vector<16xi32> -> vector<16xi32>
      %ge3A_576 = arith.cmpi sge, %rev3A_575, %select_n3A_448 : vector<16xi32>
      %all_reduce_population_count3A_577 = tpu.all_reduce %ge3A_576 {dim = 0 : i64, kind = #tpu.reduction_kind<sum>} : vector<16xi1> -> vector<16xi32>
      %sub3A_578 = arith.constant 1 : i32
      %sub3A_579 = vector.broadcast %sub3A_578 : i32 to vector<16xi32>
      %sub3A_580 = arith.subi %all_reduce_population_count3A_577, %sub3A_579 : vector<16xi32>
      %max3A_581 = arith.constant 0 : i32
      %max3A_582 = vector.broadcast %max3A_581 : i32 to vector<16xi32>
      %max3A_583 = arith.maxsi %sub3A_580, %max3A_582 : vector<16xi32>
      %reshape3A_584 = vector.shape_cast %max3A_583 : vector<16xi32> to vector<16x1xi32>
      %gather3A_585 = vector.shape_cast %reshape3A_584 : vector<16x1xi32> to vector<16xi32>
      %gather3A_586 = tpu.dynamic_gather %rev3A_575[%gather3A_585] in [0] : vector<16xi32>, vector<16xi32> -> vector<16xi32>
      %reshape3A_587 = vector.shape_cast %max3A_583 : vector<16xi32> to vector<16x1xi32>
      %gather3A_588 = vector.shape_cast %reshape3A_587 : vector<16x1xi32> to vector<16xi32>
      %gather3A_589 = tpu.dynamic_gather %add3A_562[%gather3A_588] in [0] : vector<16xi32>, vector<16xi32> -> vector<16xi32>
      %sub3A_590 = arith.subi %gather3A_586, %gather3A_589 : vector<16xi32>
      %mul3A_591 = arith.constant 16 : i32
      %mul3A_592 = vector.broadcast %mul3A_591 : i32 to vector<16xi32>
      %mul3A_593 = arith.muli %iota3A_515, %mul3A_592 : vector<16xi32>
      %add3A_594 = arith.addi %mul3A_593, %max3A_583 : vector<16xi32>
      %gather3A_595 = tpu.vector_load_idx %arg9[%add3A_594] : memref<256xi32, #tpu.memory_space<vmem>>[vector<16xi32>], vector<16xi32>,
      %rev3A_596 = arith.constant 15 : i32
      %rev3A_597 = vector.broadcast %rev3A_596 : i32 to vector<16xi32>
      %rev3A_598 = tpu.iota {dimensions = array<i32: 0>} : vector<16xi32>
      %rev3A_599 = arith.subi %rev3A_597, %rev3A_598 : vector<16xi32>
      %rev3A_600 = tpu.dynamic_gather %gather3A_595[%rev3A_599] in [0] : vector<16xi32>, vector<16xi32> -> vector<16xi32>
      %broadcast_in_dim3A_601 = arith.constant true
      %broadcast_in_dim3A_602 = vector.broadcast %broadcast_in_dim3A_601 : i1 to vector<16xi1>
      %masked_cumsum3A_603 = tpu.scan <sum>, %rev3A_600 masked %broadcast_in_dim3A_602 : vector<16xi32>, vector<16xi1> -> vector<16xi32>
      %rev3A_604 = arith.constant 15 : i32
      %rev3A_605 = vector.broadcast %rev3A_604 : i32 to vector<16xi32>
      %rev3A_606 = tpu.iota {dimensions = array<i32: 0>} : vector<16xi32>
      %rev3A_607 = arith.subi %rev3A_605, %rev3A_606 : vector<16xi32>
      %rev3A_608 = tpu.dynamic_gather %masked_cumsum3A_603[%rev3A_607] in [0] : vector<16xi32>, vector<16xi32> -> vector<16xi32>
      %add3A_609 = arith.addi %rev3A_608, %sub3A_590 : vector<16xi32>
      %ge3A_610 = arith.cmpi sge, %add3A_609, %select_n3A_448 : vector<16xi32>
      %all_reduce_population_count3A_611 = tpu.all_reduce %ge3A_610 {dim = 0 : i64, kind = #tpu.reduction_kind<sum>} : vector<16xi1> -> vector<16xi32>
      %sub3A_612 = arith.constant 1 : i32
      %sub3A_613 = vector.broadcast %sub3A_612 : i32 to vector<16xi32>
      %sub3A_614 = arith.subi %all_reduce_population_count3A_611, %sub3A_613 : vector<16xi32>
      %max3A_615 = arith.constant 0 : i32
      %max3A_616 = vector.broadcast %max3A_615 : i32 to vector<16xi32>
      %max3A_617 = arith.maxsi %sub3A_614, %max3A_616 : vector<16xi32>
      %reshape3A_618 = vector.shape_cast %max3A_617 : vector<16xi32> to vector<16x1xi32>
      %gather3A_619 = vector.shape_cast %reshape3A_618 : vector<16x1xi32> to vector<16xi32>
      %gather3A_620 = tpu.dynamic_gather %add3A_609[%gather3A_619] in [0] : vector<16xi32>, vector<16xi32> -> vector<16xi32>
      %reshape3A_621 = vector.shape_cast %max3A_617 : vector<16xi32> to vector<16x1xi32>
      %gather3A_622 = vector.shape_cast %reshape3A_621 : vector<16x1xi32> to vector<16xi32>
      %gather3A_623 = tpu.dynamic_gather %gather3A_595[%gather3A_622] in [0] : vector<16xi32>, vector<16xi32> -> vector<16xi32>
      %mul3A_624 = arith.constant 16 : i32
      %mul3A_625 = vector.broadcast %mul3A_624 : i32 to vector<16xi32>
      %mul3A_626 = arith.muli %max3A_583, %mul3A_625 : vector<16xi32>
      %add3A_627 = arith.addi %mul3A_626, %max3A_617 : vector<16xi32>
      %sub3A_628 = arith.subi %gather3A_620, %gather3A_623 : vector<16xi32>
      %sub3A_629 = arith.subi %select_n3A_448, %sub3A_628 : vector<16xi32>
      %get3A_630 = arith.constant 0 : index
      %get3A_631 = tpu.vector_load %arg7[%get3A_630] {strides = array<i32>} : memref<4096xi32, #tpu.memory_space<vmem>>, vector<16xi32>,
      %swap3A_632 = arith.constant 0 : index
      %swap3A_633 = tpu.vector_load %arg8[%swap3A_632] {strides = array<i32>} : memref<4096xi32, #tpu.memory_space<vmem>>, vector<16xi32>,
      tpu.vector_store %arg8[%swap3A_632], %get3A_631 {strides = array<i32>} : memref<4096xi32, #tpu.memory_space<vmem>>, vector<16xi32>,
      %parallel_loop3A_634 = arith.constant 0 : i32
      %parallel_loop3A_635 = arith.constant 1 : i32
      %parallel_loop3A_636 = scf.for %parallel_loop3A_874 = %parallel_loop3A_634 to %select_n3A_478 step %parallel_loop3A_635 iter_args(%parallel_loop3A_875 = %broadcast_in_dim3A_5) -> (vector<16xi32>)  : i32 {
        %parallel_loop3A_876 = arith.constant 16 : i32
        %parallel_loop3A_877 = arith.muli %parallel_loop3A_874, %parallel_loop3A_876 : i32
        %parallel_loop3A_878 = arith.index_cast %parallel_loop3A_877 : i32 to index
        %parallel_loop3A_879 = tpu.vector_load %arg7[%parallel_loop3A_878] {strides = array<i32>} : memref<4096xi32, #tpu.memory_space<vmem>>, vector<16xi32>,
        %parallel_loop3A_880 = arith.constant 16 : i32
        %parallel_loop3A_881 = arith.muli %parallel_loop3A_874, %parallel_loop3A_880 : i32
        %parallel_loop3A_882 = vector.broadcast %parallel_loop3A_881 : i32 to vector<16xi32>
        %parallel_loop3A_883 = arith.addi %parallel_loop3A_882, %iota3A : vector<16xi32>
        %parallel_loop3A_884 = vector.broadcast %select_n3A_447 : i32 to vector<16xi32>
        %parallel_loop3A_885 = arith.cmpi slt, %parallel_loop3A_883, %parallel_loop3A_884 : vector<16xi32>
        %parallel_loop3A_886 = arith.constant 8 : i32
        %parallel_loop3A_887 = vector.broadcast %parallel_loop3A_886 : i32 to vector<16xi32>
        %parallel_loop3A_888 = arith.shrsi %parallel_loop3A_879, %parallel_loop3A_887 : vector<16xi32>
        %parallel_loop3A_889 = arith.constant 255 : i32
        %parallel_loop3A_890 = vector.broadcast %parallel_loop3A_889 : i32 to vector<16xi32>
        %parallel_loop3A_891 = arith.andi %parallel_loop3A_888, %parallel_loop3A_890 : vector<16xi32>
        %parallel_loop3A_892 = arith.cmpi eq, %parallel_loop3A_891, %add3A_627 : vector<16xi32>
        %parallel_loop3A_893 = arith.andi %parallel_loop3A_892, %parallel_loop3A_885 : vector<16xi1>
        %parallel_loop3A_894 = arith.extui %parallel_loop3A_893 : vector<16xi1> to vector<16xi32>
        %parallel_loop3A_895 = arith.constant true
        %parallel_loop3A_896 = vector.broadcast %parallel_loop3A_895 : i1 to vector<16xi1>
        %parallel_loop3A_897 = tpu.scan <sum>, %parallel_loop3A_894 masked %parallel_loop3A_896 : vector<16xi32>, vector<16xi1> -> vector<16xi32>
        %parallel_loop3A_898 = arith.addi %parallel_loop3A_875, %parallel_loop3A_897 : vector<16xi32>
        %parallel_loop3A_899 = arith.constant 1 : i32
        %parallel_loop3A_900 = vector.broadcast %parallel_loop3A_899 : i32 to vector<16xi32>
        %parallel_loop3A_901 = arith.subi %parallel_loop3A_898, %parallel_loop3A_900 : vector<16xi32>
        tpu.vector_store_idx %arg8[%parallel_loop3A_901], %parallel_loop3A_879 masked %parallel_loop3A_893 : memref<4096xi32, #tpu.memory_space<vmem>>[vector<16xi32>], vector<16xi32>, vector<16xi1>
        %parallel_loop3A_902 = tpu.all_reduce %parallel_loop3A_893 {dim = 0 : i64, kind = #tpu.reduction_kind<sum>} : vector<16xi1> -> vector<16xi32>
        %parallel_loop3A_903 = arith.addi %parallel_loop3A_875, %parallel_loop3A_902 : vector<16xi32>
        scf.yield %parallel_loop3A_903 : vector<16xi32>
      } {sc.loop_unroll_factor = 1 : i64, sc.parallel_access}
      %reduce_max3A_637 = arith.constant true
      %reduce_max3A_638 = vector.broadcast %reduce_max3A_637 : i1 to vector<16xi1>
      %reduce_max3A_639 = arith.constant -2147483648 : i32
      %reduce_max3A_640 = vector.broadcast %reduce_max3A_639 : i32 to vector<16xi32>
      %reduce_max3A_641 = arith.xori %gather3A_623, %reduce_max3A_640 : vector<16xi32>
      %reduce_max3A_642 = tpu.scan <max>, %reduce_max3A_641 masked %reduce_max3A_638 : vector<16xi32>, vector<16xi1> -> vector<16xi32>
      %reduce_max3A_643 = arith.xori %reduce_max3A_642, %reduce_max3A_640 : vector<16xi32>
      %reduce_max3A_644 = vector.extract %reduce_max3A_643[15] : i32 from vector<16xi32>
      %select_n3A_645 = arith.select %le3A_450, %select_n3A_447, %reduce_max3A_644 : i32
      %select_n3A_646 = arith.select %le3A_450, %select_n3A_448, %sub3A_629 : vector<16xi32>
      %le3A_647 = arith.constant 16 : i32
      %le3A_648 = arith.cmpi sle, %select_n3A_645, %le3A_647 : i32
      %add3A_649 = arith.constant 15 : i32
      %add3A_650 = arith.addi %select_n3A_645, %add3A_649 : i32
      %jit3A_651 = arith.constant 16 : i32
      %div3A_652 = arith.divsi %add3A_650, %jit3A_651 : i32
      %sign3A_653 = arith.constant 0 : i32
      %sign3A_654 = arith.cmpi sgt, %add3A_650, %sign3A_653 : i32
      %sign3A_655 = arith.extui %sign3A_654 : i1 to i32
      %sign3A_656 = arith.constant 0 : i32
      %sign3A_657 = arith.cmpi slt, %add3A_650, %sign3A_656 : i32
      %sign3A_658 = arith.extui %sign3A_657 : i1 to i32
      %sign3A_659 = arith.subi %sign3A_655, %sign3A_658 : i32
      %sign3A_660 = arith.constant 0 : i32
      %sign3A_661 = arith.cmpi sgt, %jit3A_651, %sign3A_660 : i32
      %sign3A_662 = arith.extui %sign3A_661 : i1 to i32
      %sign3A_663 = arith.constant 0 : i32
      %sign3A_664 = arith.cmpi slt, %jit3A_651, %sign3A_663 : i32
      %sign3A_665 = arith.extui %sign3A_664 : i1 to i32
      %sign3A_666 = arith.subi %sign3A_662, %sign3A_665 : i32
      %ne3A_667 = arith.cmpi ne, %sign3A_659, %sign3A_666 : i32
      %rem3A_668 = arith.remsi %add3A_650, %jit3A_651 : i32
      %ne3A_669 = arith.constant 0 : i32
      %ne3A_670 = arith.cmpi ne, %rem3A_668, %ne3A_669 : i32
      %and3A_671 = arith.andi %ne3A_667, %ne3A_670 : i1
      %sub3A_672 = arith.constant 1 : i32
      %sub3A_673 = arith.subi %div3A_652, %sub3A_672 : i32
      %select_n3A_674 = arith.select %and3A_671, %sub3A_673, %div3A_652 : i32
      %jit3A_675 = arith.constant 0 : i32
      %select_n3A_676 = arith.select %le3A_648, %jit3A_675, %select_n3A_674 : i32
      %broadcast_in_dim3A_677 = arith.constant 0 : i32
      %broadcast_in_dim3A_678 = vector.broadcast %broadcast_in_dim3A_677 : i32 to vector<16xi32>
      %swap3A_679 = arith.constant 0 : index
      %swap3A_680 = tpu.vector_load %arg9[%swap3A_679] {strides = array<i32>} : memref<256xi32, #tpu.memory_space<vmem>>, vector<16xi32>,
      tpu.vector_store %arg9[%swap3A_679], %broadcast_in_dim3A_678 {strides = array<i32>} : memref<256xi32, #tpu.memory_space<vmem>>, vector<16xi32>,
      %swap3A_681 = arith.constant 16 : index
      %swap3A_682 = tpu.vector_load %arg9[%swap3A_681] {strides = array<i32>} : memref<256xi32, #tpu.memory_space<vmem>>, vector<16xi32>,
      tpu.vector_store %arg9[%swap3A_681], %broadcast_in_dim3A_678 {strides = array<i32>} : memref<256xi32, #tpu.memory_space<vmem>>, vector<16xi32>,
      %swap3A_683 = arith.constant 32 : index
      %swap3A_684 = tpu.vector_load %arg9[%swap3A_683] {strides = array<i32>} : memref<256xi32, #tpu.memory_space<vmem>>, vector<16xi32>,
      tpu.vector_store %arg9[%swap3A_683], %broadcast_in_dim3A_678 {strides = array<i32>} : memref<256xi32, #tpu.memory_space<vmem>>, vector<16xi32>,
      %swap3A_685 = arith.constant 48 : index
      %swap3A_686 = tpu.vector_load %arg9[%swap3A_685] {strides = array<i32>} : memref<256xi32, #tpu.memory_space<vmem>>, vector<16xi32>,
      tpu.vector_store %arg9[%swap3A_685], %broadcast_in_dim3A_678 {strides = array<i32>} : memref<256xi32, #tpu.memory_space<vmem>>, vector<16xi32>,
      %swap3A_687 = arith.constant 64 : index
      %swap3A_688 = tpu.vector_load %arg9[%swap3A_687] {strides = array<i32>} : memref<256xi32, #tpu.memory_space<vmem>>, vector<16xi32>,
      tpu.vector_store %arg9[%swap3A_687], %broadcast_in_dim3A_678 {strides = array<i32>} : memref<256xi32, #tpu.memory_space<vmem>>, vector<16xi32>,
      %swap3A_689 = arith.constant 80 : index
      %swap3A_690 = tpu.vector_load %arg9[%swap3A_689] {strides = array<i32>} : memref<256xi32, #tpu.memory_space<vmem>>, vector<16xi32>,
      tpu.vector_store %arg9[%swap3A_689], %broadcast_in_dim3A_678 {strides = array<i32>} : memref<256xi32, #tpu.memory_space<vmem>>, vector<16xi32>,
      %swap3A_691 = arith.constant 96 : index
      %swap3A_692 = tpu.vector_load %arg9[%swap3A_691] {strides = array<i32>} : memref<256xi32, #tpu.memory_space<vmem>>, vector<16xi32>,
      tpu.vector_store %arg9[%swap3A_691], %broadcast_in_dim3A_678 {strides = array<i32>} : memref<256xi32, #tpu.memory_space<vmem>>, vector<16xi32>,
      %swap3A_693 = arith.constant 112 : index
      %swap3A_694 = tpu.vector_load %arg9[%swap3A_693] {strides = array<i32>} : memref<256xi32, #tpu.memory_space<vmem>>, vector<16xi32>,
      tpu.vector_store %arg9[%swap3A_693], %broadcast_in_dim3A_678 {strides = array<i32>} : memref<256xi32, #tpu.memory_space<vmem>>, vector<16xi32>,
      %swap3A_695 = arith.constant 128 : index
      %swap3A_696 = tpu.vector_load %arg9[%swap3A_695] {strides = array<i32>} : memref<256xi32, #tpu.memory_space<vmem>>, vector<16xi32>,
      tpu.vector_store %arg9[%swap3A_695], %broadcast_in_dim3A_678 {strides = array<i32>} : memref<256xi32, #tpu.memory_space<vmem>>, vector<16xi32>,
      %swap3A_697 = arith.constant 144 : index
      %swap3A_698 = tpu.vector_load %arg9[%swap3A_697] {strides = array<i32>} : memref<256xi32, #tpu.memory_space<vmem>>, vector<16xi32>,
      tpu.vector_store %arg9[%swap3A_697], %broadcast_in_dim3A_678 {strides = array<i32>} : memref<256xi32, #tpu.memory_space<vmem>>, vector<16xi32>,
      %swap3A_699 = arith.constant 160 : index
      %swap3A_700 = tpu.vector_load %arg9[%swap3A_699] {strides = array<i32>} : memref<256xi32, #tpu.memory_space<vmem>>, vector<16xi32>,
      tpu.vector_store %arg9[%swap3A_699], %broadcast_in_dim3A_678 {strides = array<i32>} : memref<256xi32, #tpu.memory_space<vmem>>, vector<16xi32>,
      %swap3A_701 = arith.constant 176 : index
      %swap3A_702 = tpu.vector_load %arg9[%swap3A_701] {strides = array<i32>} : memref<256xi32, #tpu.memory_space<vmem>>, vector<16xi32>,
      tpu.vector_store %arg9[%swap3A_701], %broadcast_in_dim3A_678 {strides = array<i32>} : memref<256xi32, #tpu.memory_space<vmem>>, vector<16xi32>,
      %swap3A_703 = arith.constant 192 : index
      %swap3A_704 = tpu.vector_load %arg9[%swap3A_703] {strides = array<i32>} : memref<256xi32, #tpu.memory_space<vmem>>, vector<16xi32>,
      tpu.vector_store %arg9[%swap3A_703], %broadcast_in_dim3A_678 {strides = array<i32>} : memref<256xi32, #tpu.memory_space<vmem>>, vector<16xi32>,
      %swap3A_705 = arith.constant 208 : index
      %swap3A_706 = tpu.vector_load %arg9[%swap3A_705] {strides = array<i32>} : memref<256xi32, #tpu.memory_space<vmem>>, vector<16xi32>,
      tpu.vector_store %arg9[%swap3A_705], %broadcast_in_dim3A_678 {strides = array<i32>} : memref<256xi32, #tpu.memory_space<vmem>>, vector<16xi32>,
      %swap3A_707 = arith.constant 224 : index
      %swap3A_708 = tpu.vector_load %arg9[%swap3A_707] {strides = array<i32>} : memref<256xi32, #tpu.memory_space<vmem>>, vector<16xi32>,
      tpu.vector_store %arg9[%swap3A_707], %broadcast_in_dim3A_678 {strides = array<i32>} : memref<256xi32, #tpu.memory_space<vmem>>, vector<16xi32>,
      %swap3A_709 = arith.constant 240 : index
      %swap3A_710 = tpu.vector_load %arg9[%swap3A_709] {strides = array<i32>} : memref<256xi32, #tpu.memory_space<vmem>>, vector<16xi32>,
      tpu.vector_store %arg9[%swap3A_709], %broadcast_in_dim3A_678 {strides = array<i32>} : memref<256xi32, #tpu.memory_space<vmem>>, vector<16xi32>,
      %parallel_loop3A_711 = arith.constant 0 : i32
      %parallel_loop3A_712 = arith.constant 1 : i32
      scf.for %parallel_loop3A_874 = %parallel_loop3A_711 to %select_n3A_676 step %parallel_loop3A_712  : i32 {
        %parallel_loop3A_875 = arith.constant 16 : i32
        %parallel_loop3A_876 = arith.muli %parallel_loop3A_874, %parallel_loop3A_875 : i32
        %parallel_loop3A_877 = arith.index_cast %parallel_loop3A_876 : i32 to index
        %parallel_loop3A_878 = tpu.vector_load %arg8[%parallel_loop3A_877] {strides = array<i32>} : memref<4096xi32, #tpu.memory_space<vmem>>, vector<16xi32>,
        %parallel_loop3A_879 = arith.constant 16 : i32
        %parallel_loop3A_880 = arith.muli %parallel_loop3A_874, %parallel_loop3A_879 : i32
        %parallel_loop3A_881 = vector.broadcast %parallel_loop3A_880 : i32 to vector<16xi32>
        %parallel_loop3A_882 = arith.addi %parallel_loop3A_881, %iota3A : vector<16xi32>
        %parallel_loop3A_883 = vector.broadcast %select_n3A_645 : i32 to vector<16xi32>
        %parallel_loop3A_884 = arith.cmpi slt, %parallel_loop3A_882, %parallel_loop3A_883 : vector<16xi32>
        %parallel_loop3A_885 = arith.constant 0 : i32
        %parallel_loop3A_886 = vector.broadcast %parallel_loop3A_885 : i32 to vector<16xi32>
        %parallel_loop3A_887 = arith.shrsi %parallel_loop3A_878, %parallel_loop3A_886 : vector<16xi32>
        %parallel_loop3A_888 = arith.constant 15 : i32
        %parallel_loop3A_889 = vector.broadcast %parallel_loop3A_888 : i32 to vector<16xi32>
        %parallel_loop3A_890 = arith.andi %parallel_loop3A_887, %parallel_loop3A_889 : vector<16xi32>
        %parallel_loop3A_891 = arith.constant 4 : i32
        %parallel_loop3A_892 = vector.broadcast %parallel_loop3A_891 : i32 to vector<16xi32>
        %parallel_loop3A_893 = arith.shli %parallel_loop3A_890, %parallel_loop3A_892 : vector<16xi32>
        %parallel_loop3A_894 = arith.constant 4 : i32
        %parallel_loop3A_895 = vector.broadcast %parallel_loop3A_894 : i32 to vector<16xi32>
        %parallel_loop3A_896 = arith.shrsi %parallel_loop3A_887, %parallel_loop3A_895 : vector<16xi32>
        %parallel_loop3A_897 = arith.constant 15 : i32
        %parallel_loop3A_898 = vector.broadcast %parallel_loop3A_897 : i32 to vector<16xi32>
        %parallel_loop3A_899 = arith.andi %parallel_loop3A_896, %parallel_loop3A_898 : vector<16xi32>
        %parallel_loop3A_900 = arith.ori %parallel_loop3A_893, %parallel_loop3A_899 : vector<16xi32>
        tpu.vector_store_idx %arg9[%parallel_loop3A_900], %broadcast_in_dim3A_3 masked %parallel_loop3A_884 {add = true} : memref<256xi32, #tpu.memory_space<vmem>>[vector<16xi32>], vector<16xi32>, vector<16xi1>
      } {sc.loop_unroll_factor = 1 : i64, sc.parallel_access}
      %iota3A_713 = tpu.iota {dimensions = array<i32: 0>} : vector<16xi32>
      %get3A_714 = arith.constant 0 : index
      %get3A_715 = tpu.vector_load %arg9[%get3A_714] {strides = array<i32>} : memref<256xi32, #tpu.memory_space<vmem>>, vector<16xi32>,
      %get3A_716 = arith.constant 16 : index
      %get3A_717 = tpu.vector_load %arg9[%get3A_716] {strides = array<i32>} : memref<256xi32, #tpu.memory_space<vmem>>, vector<16xi32>,
      %get3A_718 = arith.constant 32 : index
      %get3A_719 = tpu.vector_load %arg9[%get3A_718] {strides = array<i32>} : memref<256xi32, #tpu.memory_space<vmem>>, vector<16xi32>,
      %get3A_720 = arith.constant 48 : index
      %get3A_721 = tpu.vector_load %arg9[%get3A_720] {strides = array<i32>} : memref<256xi32, #tpu.memory_space<vmem>>, vector<16xi32>,
      %get3A_722 = arith.constant 64 : index
      %get3A_723 = tpu.vector_load %arg9[%get3A_722] {strides = array<i32>} : memref<256xi32, #tpu.memory_space<vmem>>, vector<16xi32>,
      %get3A_724 = arith.constant 80 : index
      %get3A_725 = tpu.vector_load %arg9[%get3A_724] {strides = array<i32>} : memref<256xi32, #tpu.memory_space<vmem>>, vector<16xi32>,
      %get3A_726 = arith.constant 96 : index
      %get3A_727 = tpu.vector_load %arg9[%get3A_726] {strides = array<i32>} : memref<256xi32, #tpu.memory_space<vmem>>, vector<16xi32>,
      %get3A_728 = arith.constant 112 : index
      %get3A_729 = tpu.vector_load %arg9[%get3A_728] {strides = array<i32>} : memref<256xi32, #tpu.memory_space<vmem>>, vector<16xi32>,
      %get3A_730 = arith.constant 128 : index
      %get3A_731 = tpu.vector_load %arg9[%get3A_730] {strides = array<i32>} : memref<256xi32, #tpu.memory_space<vmem>>, vector<16xi32>,
      %get3A_732 = arith.constant 144 : index
      %get3A_733 = tpu.vector_load %arg9[%get3A_732] {strides = array<i32>} : memref<256xi32, #tpu.memory_space<vmem>>, vector<16xi32>,
      %get3A_734 = arith.constant 160 : index
      %get3A_735 = tpu.vector_load %arg9[%get3A_734] {strides = array<i32>} : memref<256xi32, #tpu.memory_space<vmem>>, vector<16xi32>,
      %get3A_736 = arith.constant 176 : index
      %get3A_737 = tpu.vector_load %arg9[%get3A_736] {strides = array<i32>} : memref<256xi32, #tpu.memory_space<vmem>>, vector<16xi32>,
      %get3A_738 = arith.constant 192 : index
      %get3A_739 = tpu.vector_load %arg9[%get3A_738] {strides = array<i32>} : memref<256xi32, #tpu.memory_space<vmem>>, vector<16xi32>,
      %get3A_740 = arith.constant 208 : index
      %get3A_741 = tpu.vector_load %arg9[%get3A_740] {strides = array<i32>} : memref<256xi32, #tpu.memory_space<vmem>>, vector<16xi32>,
      %get3A_742 = arith.constant 224 : index
      %get3A_743 = tpu.vector_load %arg9[%get3A_742] {strides = array<i32>} : memref<256xi32, #tpu.memory_space<vmem>>, vector<16xi32>,
      %get3A_744 = arith.constant 240 : index
      %get3A_745 = tpu.vector_load %arg9[%get3A_744] {strides = array<i32>} : memref<256xi32, #tpu.memory_space<vmem>>, vector<16xi32>,
      %add3A_746 = arith.addi %get3A_715, %get3A_717 : vector<16xi32>
      %add3A_747 = arith.addi %get3A_719, %get3A_721 : vector<16xi32>
      %add3A_748 = arith.addi %get3A_723, %get3A_725 : vector<16xi32>
      %add3A_749 = arith.addi %get3A_727, %get3A_729 : vector<16xi32>
      %add3A_750 = arith.addi %get3A_731, %get3A_733 : vector<16xi32>
      %add3A_751 = arith.addi %get3A_735, %get3A_737 : vector<16xi32>
      %add3A_752 = arith.addi %get3A_739, %get3A_741 : vector<16xi32>
      %add3A_753 = arith.addi %get3A_743, %get3A_745 : vector<16xi32>
      %add3A_754 = arith.addi %add3A_746, %add3A_747 : vector<16xi32>
      %add3A_755 = arith.addi %add3A_748, %add3A_749 : vector<16xi32>
      %add3A_756 = arith.addi %add3A_750, %add3A_751 : vector<16xi32>
      %add3A_757 = arith.addi %add3A_752, %add3A_753 : vector<16xi32>
      %add3A_758 = arith.addi %add3A_754, %add3A_755 : vector<16xi32>
      %add3A_759 = arith.addi %add3A_756, %add3A_757 : vector<16xi32>
      %add3A_760 = arith.addi %add3A_758, %add3A_759 : vector<16xi32>
      %rev3A_761 = arith.constant 15 : i32
      %rev3A_762 = vector.broadcast %rev3A_761 : i32 to vector<16xi32>
      %rev3A_763 = tpu.iota {dimensions = array<i32: 0>} : vector<16xi32>
      %rev3A_764 = arith.subi %rev3A_762, %rev3A_763 : vector<16xi32>
      %rev3A_765 = tpu.dynamic_gather %add3A_760[%rev3A_764] in [0] : vector<16xi32>, vector<16xi32> -> vector<16xi32>
      %broadcast_in_dim3A_766 = arith.constant true
      %broadcast_in_dim3A_767 = vector.broadcast %broadcast_in_dim3A_766 : i1 to vector<16xi1>
      %masked_cumsum3A_768 = tpu.scan <sum>, %rev3A_765 masked %broadcast_in_dim3A_767 : vector<16xi32>, vector<16xi1> -> vector<16xi32>
      %rev3A_769 = arith.constant 15 : i32
      %rev3A_770 = vector.broadcast %rev3A_769 : i32 to vector<16xi32>
      %rev3A_771 = tpu.iota {dimensions = array<i32: 0>} : vector<16xi32>
      %rev3A_772 = arith.subi %rev3A_770, %rev3A_771 : vector<16xi32>
      %rev3A_773 = tpu.dynamic_gather %masked_cumsum3A_768[%rev3A_772] in [0] : vector<16xi32>, vector<16xi32> -> vector<16xi32>
      %ge3A_774 = arith.cmpi sge, %rev3A_773, %select_n3A_646 : vector<16xi32>
      %all_reduce_population_count3A_775 = tpu.all_reduce %ge3A_774 {dim = 0 : i64, kind = #tpu.reduction_kind<sum>} : vector<16xi1> -> vector<16xi32>
      %sub3A_776 = arith.constant 1 : i32
      %sub3A_777 = vector.broadcast %sub3A_776 : i32 to vector<16xi32>
      %sub3A_778 = arith.subi %all_reduce_population_count3A_775, %sub3A_777 : vector<16xi32>
      %max3A_779 = arith.constant 0 : i32
      %max3A_780 = vector.broadcast %max3A_779 : i32 to vector<16xi32>
      %max3A_781 = arith.maxsi %sub3A_778, %max3A_780 : vector<16xi32>
      %reshape3A_782 = vector.shape_cast %max3A_781 : vector<16xi32> to vector<16x1xi32>
      %gather3A_783 = vector.shape_cast %reshape3A_782 : vector<16x1xi32> to vector<16xi32>
      %gather3A_784 = tpu.dynamic_gather %rev3A_773[%gather3A_783] in [0] : vector<16xi32>, vector<16xi32> -> vector<16xi32>
      %reshape3A_785 = vector.shape_cast %max3A_781 : vector<16xi32> to vector<16x1xi32>
      %gather3A_786 = vector.shape_cast %reshape3A_785 : vector<16x1xi32> to vector<16xi32>
      %gather3A_787 = tpu.dynamic_gather %add3A_760[%gather3A_786] in [0] : vector<16xi32>, vector<16xi32> -> vector<16xi32>
      %sub3A_788 = arith.subi %gather3A_784, %gather3A_787 : vector<16xi32>
      %mul3A_789 = arith.constant 16 : i32
      %mul3A_790 = vector.broadcast %mul3A_789 : i32 to vector<16xi32>
      %mul3A_791 = arith.muli %iota3A_713, %mul3A_790 : vector<16xi32>
      %add3A_792 = arith.addi %mul3A_791, %max3A_781 : vector<16xi32>
      %gather3A_793 = tpu.vector_load_idx %arg9[%add3A_792] : memref<256xi32, #tpu.memory_space<vmem>>[vector<16xi32>], vector<16xi32>,
      %rev3A_794 = arith.constant 15 : i32
      %rev3A_795 = vector.broadcast %rev3A_794 : i32 to vector<16xi32>
      %rev3A_796 = tpu.iota {dimensions = array<i32: 0>} : vector<16xi32>
      %rev3A_797 = arith.subi %rev3A_795, %rev3A_796 : vector<16xi32>
      %rev3A_798 = tpu.dynamic_gather %gather3A_793[%rev3A_797] in [0] : vector<16xi32>, vector<16xi32> -> vector<16xi32>
      %broadcast_in_dim3A_799 = arith.constant true
      %broadcast_in_dim3A_800 = vector.broadcast %broadcast_in_dim3A_799 : i1 to vector<16xi1>
      %masked_cumsum3A_801 = tpu.scan <sum>, %rev3A_798 masked %broadcast_in_dim3A_800 : vector<16xi32>, vector<16xi1> -> vector<16xi32>
      %rev3A_802 = arith.constant 15 : i32
      %rev3A_803 = vector.broadcast %rev3A_802 : i32 to vector<16xi32>
      %rev3A_804 = tpu.iota {dimensions = array<i32: 0>} : vector<16xi32>
      %rev3A_805 = arith.subi %rev3A_803, %rev3A_804 : vector<16xi32>
      %rev3A_806 = tpu.dynamic_gather %masked_cumsum3A_801[%rev3A_805] in [0] : vector<16xi32>, vector<16xi32> -> vector<16xi32>
      %add3A_807 = arith.addi %rev3A_806, %sub3A_788 : vector<16xi32>
      %ge3A_808 = arith.cmpi sge, %add3A_807, %select_n3A_646 : vector<16xi32>
      %all_reduce_population_count3A_809 = tpu.all_reduce %ge3A_808 {dim = 0 : i64, kind = #tpu.reduction_kind<sum>} : vector<16xi1> -> vector<16xi32>
      %sub3A_810 = arith.constant 1 : i32
      %sub3A_811 = vector.broadcast %sub3A_810 : i32 to vector<16xi32>
      %sub3A_812 = arith.subi %all_reduce_population_count3A_809, %sub3A_811 : vector<16xi32>
      %max3A_813 = arith.constant 0 : i32
      %max3A_814 = vector.broadcast %max3A_813 : i32 to vector<16xi32>
      %max3A_815 = arith.maxsi %sub3A_812, %max3A_814 : vector<16xi32>
      %reshape3A_816 = vector.shape_cast %max3A_815 : vector<16xi32> to vector<16x1xi32>
      %gather3A_817 = vector.shape_cast %reshape3A_816 : vector<16x1xi32> to vector<16xi32>
      %gather3A_818 = tpu.dynamic_gather %add3A_807[%gather3A_817] in [0] : vector<16xi32>, vector<16xi32> -> vector<16xi32>
      %reshape3A_819 = vector.shape_cast %max3A_815 : vector<16xi32> to vector<16x1xi32>
      %gather3A_820 = vector.shape_cast %reshape3A_819 : vector<16x1xi32> to vector<16xi32>
      %gather3A_821 = tpu.dynamic_gather %gather3A_793[%gather3A_820] in [0] : vector<16xi32>, vector<16xi32> -> vector<16xi32>
      %mul3A_822 = arith.constant 16 : i32
      %mul3A_823 = vector.broadcast %mul3A_822 : i32 to vector<16xi32>
      %mul3A_824 = arith.muli %max3A_781, %mul3A_823 : vector<16xi32>
      %add3A_825 = arith.addi %mul3A_824, %max3A_815 : vector<16xi32>
      %sub3A_826 = arith.subi %gather3A_818, %gather3A_821 : vector<16xi32>
      %sub3A_827 = arith.subi %select_n3A_646, %sub3A_826 : vector<16xi32>
      %get3A_828 = arith.constant 0 : index
      %get3A_829 = tpu.vector_load %arg8[%get3A_828] {strides = array<i32>} : memref<4096xi32, #tpu.memory_space<vmem>>, vector<16xi32>,
      %swap3A_830 = arith.constant 0 : index
      %swap3A_831 = tpu.vector_load %arg7[%swap3A_830] {strides = array<i32>} : memref<4096xi32, #tpu.memory_space<vmem>>, vector<16xi32>,
      tpu.vector_store %arg7[%swap3A_830], %get3A_829 {strides = array<i32>} : memref<4096xi32, #tpu.memory_space<vmem>>, vector<16xi32>,
      %parallel_loop3A_832 = arith.constant 0 : i32
      %parallel_loop3A_833 = arith.constant 1 : i32
      %parallel_loop3A_834 = scf.for %parallel_loop3A_874 = %parallel_loop3A_832 to %select_n3A_676 step %parallel_loop3A_833 iter_args(%parallel_loop3A_875 = %broadcast_in_dim3A_5) -> (vector<16xi32>)  : i32 {
        %parallel_loop3A_876 = arith.constant 16 : i32
        %parallel_loop3A_877 = arith.muli %parallel_loop3A_874, %parallel_loop3A_876 : i32
        %parallel_loop3A_878 = arith.index_cast %parallel_loop3A_877 : i32 to index
        %parallel_loop3A_879 = tpu.vector_load %arg8[%parallel_loop3A_878] {strides = array<i32>} : memref<4096xi32, #tpu.memory_space<vmem>>, vector<16xi32>,
        %parallel_loop3A_880 = arith.constant 16 : i32
        %parallel_loop3A_881 = arith.muli %parallel_loop3A_874, %parallel_loop3A_880 : i32
        %parallel_loop3A_882 = vector.broadcast %parallel_loop3A_881 : i32 to vector<16xi32>
        %parallel_loop3A_883 = arith.addi %parallel_loop3A_882, %iota3A : vector<16xi32>
        %parallel_loop3A_884 = vector.broadcast %select_n3A_645 : i32 to vector<16xi32>
        %parallel_loop3A_885 = arith.cmpi slt, %parallel_loop3A_883, %parallel_loop3A_884 : vector<16xi32>
        %parallel_loop3A_886 = arith.constant 0 : i32
        %parallel_loop3A_887 = vector.broadcast %parallel_loop3A_886 : i32 to vector<16xi32>
        %parallel_loop3A_888 = arith.shrsi %parallel_loop3A_879, %parallel_loop3A_887 : vector<16xi32>
        %parallel_loop3A_889 = arith.constant 255 : i32
        %parallel_loop3A_890 = vector.broadcast %parallel_loop3A_889 : i32 to vector<16xi32>
        %parallel_loop3A_891 = arith.andi %parallel_loop3A_888, %parallel_loop3A_890 : vector<16xi32>
        %parallel_loop3A_892 = arith.cmpi eq, %parallel_loop3A_891, %add3A_825 : vector<16xi32>
        %parallel_loop3A_893 = arith.andi %parallel_loop3A_892, %parallel_loop3A_885 : vector<16xi1>
        %parallel_loop3A_894 = arith.extui %parallel_loop3A_893 : vector<16xi1> to vector<16xi32>
        %parallel_loop3A_895 = arith.constant true
        %parallel_loop3A_896 = vector.broadcast %parallel_loop3A_895 : i1 to vector<16xi1>
        %parallel_loop3A_897 = tpu.scan <sum>, %parallel_loop3A_894 masked %parallel_loop3A_896 : vector<16xi32>, vector<16xi1> -> vector<16xi32>
        %parallel_loop3A_898 = arith.addi %parallel_loop3A_875, %parallel_loop3A_897 : vector<16xi32>
        %parallel_loop3A_899 = arith.constant 1 : i32
        %parallel_loop3A_900 = vector.broadcast %parallel_loop3A_899 : i32 to vector<16xi32>
        %parallel_loop3A_901 = arith.subi %parallel_loop3A_898, %parallel_loop3A_900 : vector<16xi32>
        tpu.vector_store_idx %arg7[%parallel_loop3A_901], %parallel_loop3A_879 masked %parallel_loop3A_893 : memref<4096xi32, #tpu.memory_space<vmem>>[vector<16xi32>], vector<16xi32>, vector<16xi1>
        %parallel_loop3A_902 = tpu.all_reduce %parallel_loop3A_893 {dim = 0 : i64, kind = #tpu.reduction_kind<sum>} : vector<16xi1> -> vector<16xi32>
        %parallel_loop3A_903 = arith.addi %parallel_loop3A_875, %parallel_loop3A_902 : vector<16xi32>
        scf.yield %parallel_loop3A_903 : vector<16xi32>
      } {sc.loop_unroll_factor = 1 : i64, sc.parallel_access}
      %reduce_max3A_835 = arith.constant true
      %reduce_max3A_836 = vector.broadcast %reduce_max3A_835 : i1 to vector<16xi1>
      %reduce_max3A_837 = arith.constant -2147483648 : i32
      %reduce_max3A_838 = vector.broadcast %reduce_max3A_837 : i32 to vector<16xi32>
      %reduce_max3A_839 = arith.xori %gather3A_821, %reduce_max3A_838 : vector<16xi32>
      %reduce_max3A_840 = tpu.scan <max>, %reduce_max3A_839 masked %reduce_max3A_836 : vector<16xi32>, vector<16xi1> -> vector<16xi32>
      %reduce_max3A_841 = arith.xori %reduce_max3A_840, %reduce_max3A_838 : vector<16xi32>
      %reduce_max3A_842 = vector.extract %reduce_max3A_841[15] : i32 from vector<16xi32>
      %select_n3A_843 = arith.select %le3A_648, %select_n3A_645, %reduce_max3A_842 : i32
      %select_n3A_844 = arith.select %le3A_648, %select_n3A_646, %sub3A_827 : vector<16xi32>
      %get3A_845 = arith.constant 0 : index
      %get3A_846 = tpu.vector_load %arg7[%get3A_845] {strides = array<i32>} : memref<4096xi32, #tpu.memory_space<vmem>>, vector<16xi32>,
      %lt3A = vector.broadcast %select_n3A_843 : i32 to vector<16xi32>
      %lt3A_847 = arith.cmpi slt, %iota3A, %lt3A : vector<16xi32>
      %jit3A_848 = arith.constant -2147483648 : i32
      %broadcast_in_dim3A_849 = vector.broadcast %jit3A_848 : i32 to vector<16xi32>
      %select_n3A_850 = arith.select %lt3A_847, %get3A_846, %broadcast_in_dim3A_849 : vector<16xi1>, vector<16xi32>
      %masked_sort3A = arith.constant dense<true> : vector<16xi1>
      %masked_sort3A_851 = arith.constant -2147483648 : i32
      %masked_sort3A_852 = vector.broadcast %masked_sort3A_851 : i32 to vector<16xi32>
      %masked_sort3A_853 = arith.xori %select_n3A_850, %masked_sort3A_852 : vector<16xi32>
      %masked_sort3A_854, %masked_sort3A_855, %masked_sort3A_856 = tpu.sort %masked_sort3A_853, %select_n3A_850 masked %masked_sort3A {descending = true} : (vector<16xi32>, vector<16xi32>, vector<16xi1>) -> (vector<16xi1>, vector<16xi32>, vector<16xi32>)
      %masked_sort3A_857 = arith.xori %masked_sort3A_855, %masked_sort3A_852 : vector<16xi32>
      %sub3A_858 = arith.constant 1 : i32
      %sub3A_859 = vector.broadcast %sub3A_858 : i32 to vector<16xi32>
      %sub3A_860 = arith.subi %select_n3A_844, %sub3A_859 : vector<16xi32>
      %reshape3A_861 = vector.shape_cast %sub3A_860 : vector<16xi32> to vector<16x1xi32>
      %gather3A_862 = vector.shape_cast %reshape3A_861 : vector<16x1xi32> to vector<16xi32>
      %gather3A_863 = tpu.dynamic_gather %masked_sort3A_857[%gather3A_862] in [0] : vector<16xi32>, vector<16xi32> -> vector<16xi32>
      %reshape3A_864 = vector.shape_cast %broadcast_in_dim3A_5 : vector<16xi32> to vector<16x1xi32>
      %gather3A_865 = vector.shape_cast %reshape3A_864 : vector<16x1xi32> to vector<16xi32>
      %gather3A_866 = tpu.dynamic_gather %get3A_846[%gather3A_865] in [0] : vector<16xi32>, vector<16xi32> -> vector<16xi32>
      %le3A_867 = arith.constant 16 : i32
      %le3A_868 = arith.cmpi sle, %select_n3A_843, %le3A_867 : i32
      %select_n3A_869 = arith.select %le3A_868, %gather3A_863, %gather3A_866 : vector<16xi32>
      %parallel_loop3A_870 = arith.constant 0 : i32
      %parallel_loop3A_871 = arith.constant 256 : i32
      %parallel_loop3A_872 = arith.constant 1 : i32
      scf.for %parallel_loop3A_874 = %parallel_loop3A_870 to %parallel_loop3A_871 step %parallel_loop3A_872  : i32 {
        %parallel_loop3A_875 = arith.constant 16 : i32
        %parallel_loop3A_876 = arith.muli %parallel_loop3A_874, %parallel_loop3A_875 : i32
        %parallel_loop3A_877 = arith.index_cast %parallel_loop3A_876 : i32 to index
        %parallel_loop3A_878 = tpu.vector_load %arg5[%parallel_loop3A_877] {strides = array<i32>} : memref<4096xi32, #tpu.memory_space<vmem>>, vector<16xi32>,
        %parallel_loop3A_879 = arith.cmpi sge, %parallel_loop3A_878, %select_n3A_869 : vector<16xi32>
        %parallel_loop3A_880 = arith.constant 1.000000e+00 : f32
        %parallel_loop3A_881 = arith.constant 0.000000e+00 : f32
        %parallel_loop3A_882 = vector.broadcast %parallel_loop3A_880 : f32 to vector<16xf32>
        %parallel_loop3A_883 = vector.broadcast %parallel_loop3A_881 : f32 to vector<16xf32>
        %parallel_loop3A_884 = arith.select %parallel_loop3A_879, %parallel_loop3A_882, %parallel_loop3A_883 : vector<16xi1>, vector<16xf32>
        %parallel_loop3A_885 = arith.constant 16 : i32
        %parallel_loop3A_886 = arith.muli %parallel_loop3A_874, %parallel_loop3A_885 : i32
        %parallel_loop3A_887 = arith.index_cast %scan3A_12 : i32 to index
        %parallel_loop3A_888 = arith.index_cast %parallel_loop3A_886 : i32 to index
        %parallel_loop3A_889 = tpu.vector_load %arg11[%parallel_loop3A_887, %parallel_loop3A_888] {strides = array<i32>} : memref<2x4096xf32, #tpu.memory_space<vmem>>, vector<16xf32>,
        tpu.vector_store %arg11[%parallel_loop3A_887, %parallel_loop3A_888], %parallel_loop3A_884 {strides = array<i32>} : memref<2x4096xf32, #tpu.memory_space<vmem>>, vector<16xf32>,
      } {sc.loop_unroll_factor = 4 : i64, sc.parallel_access}
      %scan3A_873 = arith.constant 0 : i32
      scf.yield %scan3A_873 : i32
    }
    %scan3A_11 = arith.constant 2 : i32
    "tpu.region"() ({
      %run_scoped3A = tpu.sem_alloc : memref<!tpu.dma_semaphore, #tpu.memory_space<semaphore_mem>>
      %dma_start3A = arith.constant 0 : i32
      %dma_start3A_12 = tpu.memref_slice %arg3[%mul3A_2, %dma_start3A] : memref<64x4096xf32, #tpu.memory_space<hbm>> -> memref<2x4096xf32, #tpu.memory_space<hbm>>
      %dma_start3A_13 = arith.constant 0 : i32
      %dma_start3A_14 = tpu.memref_slice %arg3[%mul3A_2, %dma_start3A_13] : memref<64x4096xf32, #tpu.memory_space<hbm>> -> memref<2x4096xf32, #tpu.memory_space<hbm>>
      tpu.enqueue_dma source(%arg11 : memref<2x4096xf32, #tpu.memory_space<vmem>>) target(%dma_start3A_14 : memref<2x4096xf32, #tpu.memory_space<hbm>>) target_semaphore(%run_scoped3A : memref<!tpu.dma_semaphore, #tpu.memory_space<semaphore_mem>>)
      %dma_wait3A = arith.constant 0 : i32
      %dma_wait3A_15 = tpu.memref_slice %arg3[%mul3A_2, %dma_wait3A] : memref<64x4096xf32, #tpu.memory_space<hbm>> -> memref<2x4096xf32, #tpu.memory_space<hbm>>
      %dma_wait3A_16 = arith.constant 0 : i32
      %dma_wait3A_17 = tpu.memref_slice %arg3[%mul3A_2, %dma_wait3A_16] : memref<64x4096xf32, #tpu.memory_space<hbm>> -> memref<2x4096xf32, #tpu.memory_space<hbm>>
      tpu.wait_dma2 semaphore(%run_scoped3A : memref<!tpu.dma_semaphore, #tpu.memory_space<semaphore_mem>>) src(%arg11 : memref<2x4096xf32, #tpu.memory_space<vmem>>) dst(%dma_wait3A_17 : memref<2x4096xf32, #tpu.memory_space<hbm>>)
      tpu.yield
    }) : () -> ()
    return
  }
}

</mosaic_0001>

<sc_bundles>
// kernel: kernel.3.cloned.1.call-start
scs
__scs_entry_jumppad:
0x0: {  	(pc) =	sbr.rel $0x88, $3  }
0x1: {  	(tag) =	ssettag $0x0;
	lr =	simm.s32 $0x1  }
0x2: {  	[smem:$0x3FA0] =	sst lr;
	_ =	strace $0xD0000000  }
0x3: {  	_ = 	snop  }
0x4: {  	_ = 	snop  }
0x5: {  	_ = 	snop  }
0x6: {  	_ = 	snop  }
0x7: {  	_ = 	snop  }
__scs_overlays_trampoline_lowered:
0x8: {  	[smem:$0x3FAF] =	sst s0  }
0x9: {  	[smem:$0x3FB0] =	sst s1  }
0xa: {  	[smem:$0x3FB1] =	sst s2  }
0xb: {  	[smem:$0x3FB2] =	sst s3  }
0xc: {  	[smem:$0x3FB3] =	sst s4  }
0xd: {  	[smem:$0x3FB4] =	sst s5  }
0xe: {  	[smem:$0x3FB5] =	sst s6  }
0xf: {  	[smem:$0x3FB6] =	sst s7  }
0x10: {  	[smem:$0x3FB7] =	sst s8  }
0x11: {  	[smem:$0x3FB8] =	sst s9;
	s0 =	simm.s32 @!p0 $0x0  }
0x12: {  	s1 =	sld [smem:$0x3F9E];
	s0 =	simm.s32 @p0 $0x1  }
0x13: {  	[smem:$0x3FB9] =	sst s0;
	s0 =	simm.s32 @!p1 $0x0  }
0x14: {  	s2 =	sld [smem:$0x3F9D];
	s0 =	simm.s32 @p1 $0x1  }
0x15: {  	[smem:$0x3FBA] =	sst s0;
	s0 =	simm.s32 @!p2 $0x0  }
0x16: {  	s3 =	sld [smem:$0x3FDB];
	s0 =	simm.s32 @p2 $0x1  }
0x17: {  	s4 =	simm.s32 $0x1BF5;
	[smem:$0x3FBC] =	sst s0  }
0x18: {  	s0 =	sld [smem:$0x3F9F];
	_ =	swait.ge [sflag:s4], $0x0  }
0x19: {  	s7 =	sld [smem:$0x3FA0]  }
0x1a: {  	s8 =	sadd.s32 $0xFFFFE003, lr  }
0x1b: {  	s9 =	sadd.s32 $0xFFFFFEF7, lr;
	s5 =	simm.s32 $0xFFFFFFFF;
	p2 =	slt.u32 s8, $0xFFFFF086  }
0x1c: {  	p1 =	slt.u32 s9, $0xF7A;
	s5 =	simm.s32 @!p2 $0x0  }
0x1d: {  	s5 =	simm.s32 @p1 $0x1;
	p0 =	seq.s32 s7, s2  }
0x1e: {  	s7 =	smul.u32 @!p0 $0xF7A, s2;
	p2 =	seq.s32 @!p0 s5, $0x0  }
0x1f: {  	s9 =	smul.u32 $0xF7A, s1;
	s8 =	simm.s32 @!p0 $0x1BF5;
	p2 =	por !p2, p0  }
0x20: {  	[sflag:s8] =	ssyncset.s32 @!p0 $0xFFFFF086;
	s6 =	sadd.s32 @!p0 s3, s7;
	s7 =	simm.s32 @!p0 $0x108  }
0x21: {  	s3 =	sadd.s32 s3, s9;
	s6 =	sadd.s32 @!p0 $0x88, s6;
	s7 =	simm.s32 @p2 $0x1082  }
0x22: {  	[simem:s7], [sflag:s8] =	dma.local @!p0 [hbm:s6], $0xF7A  }
0x23: {  	s9 =	sor.u32 $0xD0000000, s2;
	s6 =	simm.s32 $0x108;
	_ =	swait.ge @!p0 [sflag:s8], $0x0  }
0x24: {  	s3 =	sadd.s32 $0x88, s3;
	s6 =	simm.s32 @!p1 $0x1082;
	[sflag:s4] =	ssyncset.s32 $0xFFFFF086  }
0x25: {  	[simem:s6], [sflag:s4] =	dma.local [hbm:s3], $0xF7A  }
0x26: {  	[smem:$0x3FA0] =	sst s1;
	(tag) =	ssettag s2;
	_ =	strace s9  }
0x27: {  	s1 =	sld [smem:$0x3FB0]  }
0x28: {  	s2 =	sld [smem:$0x3FB1]  }
0x29: {  	s4 =	sld [smem:$0x3FB3]  }
0x2a: {  	p0 =	seq.s32 s5, $0x0;
	s5 =	sld [smem:$0x3FB4]  }
0x2b: {  	s6 =	sld [smem:$0x3FB5]  }
0x2c: {  	s7 =	sld [smem:$0x3FB6]  }
0x2d: {  	s3 =	simm.s32 $0x108;
	s8 =	sld [smem:$0x3FB7]  }
0x2e: {  	s3 =	simm.s32 @!p0 $0x1082;
	s9 =	sld [smem:$0x3FB8]  }
0x2f: {  	lr =	sadd.s32 s0, s3;
	s0 =	sld [smem:$0x3FAF]  }
0x30: {  	s3 =	sld [smem:$0x3FB2]  }
0x31: {  	[smem:$0x3FBB] =	sst s10  }
0x32: {  	s10 =	sld [smem:$0x3FB9];
	_ =	sdelay $0x3  }
0x33: {  	p0 =	seq.s32 s10, $0x1;
	s10 =	sld [smem:$0x3FBB];
	_ =	sdelay $0x3  }
0x34: {  	[smem:$0x3FBB] =	sst s10  }
0x35: {  	s10 =	sld [smem:$0x3FBA];
	_ =	sdelay $0x3  }
0x36: {  	p1 =	seq.s32 s10, $0x1;
	s10 =	sld [smem:$0x3FBB];
	_ =	sdelay $0x3  }
0x37: {  	[smem:$0x3FBB] =	sst s10  }
0x38: {  	s10 =	sld [smem:$0x3FBC]  }
0x39: {  	_ = 	snop;
	(pc) =	sbr.ind lr, $3  }
0x3a: {  	_ = 	snop  }
0x3b: {  	_ = 	snop  }
0x3c: {  	p2 =	seq.s32 s10, $0x1;
	s10 =	sld [smem:$0x3FBB]  }
0x3d: {  	_ =	shalt  }
0x3e: {  	_ =	shalt  }
0x3f: {  	_ =	shalt  }
0x40: {  	_ =	shalt  }
0x41: {  	_ =	shalt  }
0x42: {  	_ =	shalt  }
0x43: {  	_ =	shalt  }
0x44: {  	_ =	shalt  }
0x45: {  	_ =	shalt  }
0x46: {  	_ =	shalt  }
0x47: {  	_ =	shalt  }
0x48: {  	_ =	shalt  }
0x49: {  	_ =	shalt  }
0x4a: {  	_ =	shalt  }
0x4b: {  	_ =	shalt  }
0x4c: {  	_ =	shalt  }
0x4d: {  	_ =	shalt  }
0x4e: {  	_ =	shalt  }
0x4f: {  	_ =	shalt  }
0x50: {  	_ =	shalt  }
0x51: {  	_ =	shalt  }
0x52: {  	_ =	shalt  }
0x53: {  	_ =	shalt  }
0x54: {  	_ =	shalt  }
0x55: {  	_ =	shalt  }
0x56: {  	_ =	shalt  }
0x57: {  	_ =	shalt  }
0x58: {  	_ =	shalt  }
0x59: {  	_ =	shalt  }
0x5a: {  	_ =	shalt  }
0x5b: {  	_ =	shalt  }
0x5c: {  	_ =	shalt  }
0x5d: {  	_ =	shalt  }
0x5e: {  	_ =	shalt  }
0x5f: {  	_ =	shalt  }
0x60: {  	_ =	shalt  }
0x61: {  	_ =	shalt  }
0x62: {  	_ =	shalt  }
0x63: {  	_ =	shalt  }
0x64: {  	_ =	shalt  }
0x65: {  	_ =	shalt  }
0x66: {  	_ =	shalt  }
0x67: {  	_ =	shalt  }
0x68: {  	_ =	shalt  }
0x69: {  	_ =	shalt  }
0x6a: {  	_ =	shalt  }
0x6b: {  	_ =	shalt  }
0x6c: {  	_ =	shalt  }
0x6d: {  	_ =	shalt  }
0x6e: {  	_ =	shalt  }
0x6f: {  	_ =	shalt  }
0x70: {  	_ =	shalt  }
0x71: {  	_ =	shalt  }
0x72: {  	_ =	shalt  }
0x73: {  	_ =	shalt  }
0x74: {  	_ =	shalt  }
0x75: {  	_ =	shalt  }
0x76: {  	_ =	shalt  }
0x77: {  	_ =	shalt  }
0x78: {  	_ =	shalt  }
0x79: {  	_ =	shalt  }
0x7a: {  	_ =	shalt  }
0x7b: {  	_ =	shalt  }
0x7c: {  	_ =	shalt  }
0x7d: {  	_ =	shalt  }
0x7e: {  	_ =	shalt  }
0x7f: {  	_ =	shalt  }
0x80: {  	_ =	shalt  }
0x81: {  	_ =	shalt  }
0x82: {  	_ =	shalt  }
0x83: {  	_ =	shalt  }
0x84: {  	_ =	shalt  }
0x85: {  	_ =	shalt  }
0x86: {  	_ =	shalt  }
0x87: {  	_ =	shalt  }
.Lfunc_end0:
.L_simem_size_0:
called_computation_lowered:
.L_overlay_start_0:
0x88: {  	s2 =	sld [smem:$0x3FD9]  }
0x89: {  	s3 =	sld [smem:$0x3FFE];
	_ =	sdelay $0x1  }
0x8a: {  	s1 =	srdreg.scid  }
0x8b: {  	s0 =	sand.u32 $0x1, s1  }
0x8c: {  	s18 =	sshll.u32 s0, $0xA;
	s2 =	sadd.s32 s3, s2  }
0x8d: {  	s2 =	sadd.s32 s2, s18  }
0x8e: {  	[smem:$0x3FC7] =	sst s2  }
0x8f: {  	_ = 	snop  }
0x90: {  	s2 =	sld [smem:$0x3FC9]  }
0x91: {  	s19 =	sld [smem:$0x3FD0];
	(tm) =	ssettm $0x1  }
0x92: {  	s4 =	sld [smem:$0x3FFB];
	_ =	sdelay $0x3  }
0x93: {  	_ =	strace s4  }
0x94: {  	s4 =	sld [smem:$0x3FFC];
	_ =	sdelay $0x3  }
0x95: {  	_ =	strace s4  }
0x96: {  	s4 =	sld [smem:$0x3FFD];
	_ =	sdelay $0x3  }
0x97: {  	_ =	strace s4  }
0x98: {  	_ =	strace $0x8FFFFFFF  }
0x99: {  	s20 =	sld [smem:$0x3FDB];
	_ =	sdelay $0x1  }
0x9a: {  	s5 =	simm.s32 $_scs_section_size  }
0x9b: {  	s6 =	simm.s32 $_size__tile_overlayer_lowered;
	s7 =	simm.s32 $_tile_overlayer_lowered  }
0x9c: {  	s23 =	simm.s32 $0x1BFF;
	s22 =	sshll.u32 s7, $0x1;
	s4 =	sadd.s32 s5, s20  }
0x9d: {  	s8 =	simm.s32 $0x0;
	s21 =	sshll.u32 s6, $0x1;
	s6 =	sadd.s32 s22, s4  }
0x9e: {  	[timem:s8], [sflag:s23] =	dma.local [hbm:s6], s21  }
0x9f: {  	_ =	swait.ge [sflag:s23], s21  }
0xa0: {  	s5 =	ssub.s32 $0x0, s21;
	[sflag:s23] =	ssyncset.done $0x0  }
0xa1: {  	[sflag:s23] =	ssyncadd.s32 s5;
	_ =	sdelay $0x1  }
0xa2: {  	s24 =	simm.s32 $0x1B8B  }
0xa3: {  	_ =	swait.ge [sflag:s24], $0x1  }
0xa4: {  	[sflag:s24] =	ssyncset.done $0x0  }
0xa5: {  	s25 =	simm.s32 $0x1B8E;
	[sflag:s24] =	ssyncadd.s32 $0xFFFFFFFF  }
0xa6: {  	s26 =	simm.s32 $execute0_lowered;
	[smem:$0x3FD2] =	sst s25  }
0xa7: {  	s5 =	sshll.u32 s26, $0x1;
	_ =	strace $0x80000046;
	[dreg:$0x1] =	wrdreg $0xFFFFFFFF  }
0xa8: {  	s28 =	simm.s32 $_size_execute0_lowered;
	s4 =	sadd.s32 s4, s5;
	[dreg:$0x0] =	wrdreg $0x0  }
0xa9: {  	s5 =	sshll.u32 s28, $0x1;
	[dreg:$0x2] =	wrdreg s4  }
0xaa: {  	[dreg:$0x3] =	wrdreg s5  }
0xab: {  	[dreg:$0x4] =	wrdreg $0xC0  }
0xac: {  	_ =	task [dreg:s8], $0x5FFFF  }
0xad: {  	[dreg:$0x1] =	wrdreg $0xFFFFFFFF  }
0xae: {  	[dreg:$0x0] =	wrdreg $0x60  }
0xaf: {  	[dreg:$0x2] =	wrdreg s2  }
0xb0: {  	[dreg:$0x3] =	wrdreg s19  }
0xb1: {  	[dreg:$0x4] =	wrdreg $0x9  }
0xb2: {  	_ =	task.clear_ibuf [dreg:s8], $0x5FFFF;
	_ =	strace $0x90000046  }
0xb3: {  	s29 =	simm.s32 $0x9;
	_ =	strace $0x80000048  }
0xb4: {  	_ =	swait.ge [sflag:s29], $0x1  }
0xb5: {  	[sflag:s29] =	ssyncadd.s32 $0xFFFFFFFF  }
0xb6: {  	_ =	strace $0x90000048  }
0xb7: {  	_ =	sfence  }
0xb8: {  	s30 =	sld [smem:$0x0];
	_ =	sdelay $0x2  }
0xb9: {  	s31 =	sshll.u32 s1, $0xD;
	s1 =	sshrl.u32 s1, $0x2  }
0xba: {  	s3 =	sand.u32 $0x4000, s31;
	s1 =	sadd.s32 s1, s30  }
0xbb: {  	s0 =	sor.u32 s3, s0;
	s1 =	sshll.u32 s1, $0x11  }
0xbc: {  	s0 =	sor.u32 s1, s0  }
0xbd: {  	s0 =	sadd.s32 $0x8F2B, s0  }
0xbe: {  	[sflag:s0] =	ssyncadd.remote.s32 $0x1  }
0xbf: {  	_ =	sfence.sel $0xFFFF  }
0xc0: {  	[dreg:$0x0] =	wrdreg $0xFFFFFFFF;
	(pc) =	sbr.abs _section_cstart, $3  }
0xc1: {  	[dreg:$0x1] =	wrdreg $0xFFFFFFFF  }
0xc2: {  	_ =	task.clear_ibuf [dreg:s8], $0x2FFFF;
	_ =	strace $0x9FFFFFFF  }
0xc3: {  	(tm) =	ssettm $0x7FFFFFFF  }
tec
execute0_lowered:
.L_overlay_start_1:
0x0: {  	(tag) =	ssettag $0x1  }
0x1: {  	s3 =	rddreg [dreg:$0x0]  }
0x2: {  	s4 =	rddreg [dreg:$0x1]  }
0x3: {  	s0 =	rddreg [dreg:$0x2]  }
0x4: {  	s2 =	simm.s32 $0x0;
	s5 =	srdreg.scid;
	s1 =	stileid.u32  }
0x5: {  	s9 =	simm.s32 $0x3000;
	s10 =	simm.s32 $0x4000;
	s11 =	simm.s32 $0x5000  }
0x6: {  	s12 =	simm.s32 $0x6200;
	s13 =	simm.s32 $0x0;
	[smem:$0x7FF] =	sst s2  }
.Ltmp0:
0x7: {  	s5 =	sand.u32 $0x1, s5;
	s7 =	sshll.u32 s1, $0xB;
	(pc) =	sbr.rel .LBB2_1-.Ltmp0, $4  }
0x8: {  	v0 =	vlaneseq.u32;
	s6 =	ssub.s32 $0x2, s5;
	s5 =	sshll.u32 s5, $0xA;
	_ =	strace $0x80000047  }
0x9: {  	v3 =	vmul.u32 $0xFFFFFFFF, v0;
	s8 =	sshrl.u32 s6, $0x1;
	s5 =	sor.u32 s5, s7;
	s7 =	simm.s32 $0x6000  }
0xa: {  	v1 =	vimm.s32 $0x0;
	v2 =	vimm.s32 $0x1;
	s6 =	ssub.s32 s6, s8;
	s3 =	sadd.s32 s3, s5;
	s4 =	sadd.s32 s4, s5  }
0xb: {  	v5 =	vimm.f32 $1.000000000e+00;
	v4 =	vmul.u32 $0x10, v0;
	v3 =	vadd.s32 $0xF, v3;
	s8 =	simm.s32 $0x6100;
	s5 =	smax.u32 s6, $0x1;
	s6 =	simm.s32 $0x1  }
.LBB2_61:
0xc: {  	s13 =	sadd.s32 $0x1, s13  }
0xd: {  	p0 =	sne.s32 s13, s5  }
.Ltmp1:
0xe: {  	_ = 	snop;
	(pc) =	sbr.rel @!p0 .LBB2_62-.Ltmp1, $4  }
0xf: {  	[hbm4b:s4+s2] =	stream.linear.scatter [tilespmem:s12], [sflag:$0x1], $0x2000, $0x38;
	[tilespmem:$0x8200] =	vst v63  }
0x10: {  	_ =	swait.ge [sflag:s6], $0x2000  }
0x11: {  	[sflag:s6] =	ssyncset.done $0x0  }
0x12: {  	[sflag:s6] =	ssyncadd.s32 $0xFFFFE000  }
.LBB2_1:
0x13: {  	[tilespmem:s2], [sflag:$0x1] =	stream.linear.gather [hbm4b:s3+s2], $0x2000, $0x38;
	[tilespmem:$0x8200] =	vst v63  }
0x14: {  	_ =	swait.ge [sflag:s6], $0x2000  }
0x15: {  	[sflag:s6] =	ssyncset.done $0x0  }
0x16: {  	p1 =	por $0x1, $0x1;
	s14 =	simm.s32 $0x0;
	[sflag:s6] =	ssyncadd.s32 $0xFFFFE000  }
.LBB2_2:
0x17: {  	[tilespmem:$0x6000] =	vst v1  }
0x18: {  	[tilespmem:$0x6010] =	vst v1  }
0x19: {  	[tilespmem:$0x6020] =	vst v1  }
0x1a: {  	[tilespmem:$0x6030] =	vst v1  }
0x1b: {  	[tilespmem:$0x6040] =	vst v1  }
0x1c: {  	[tilespmem:$0x6050] =	vst v1  }
0x1d: {  	[tilespmem:$0x6060] =	vst v1  }
0x1e: {  	[tilespmem:$0x6070] =	vst v1  }
0x1f: {  	[tilespmem:$0x6080] =	vst v1  }
0x20: {  	[tilespmem:$0x6090] =	vst v1  }
0x21: {  	[tilespmem:$0x60A0] =	vst v1  }
0x22: {  	[tilespmem:$0x60B0] =	vst v1  }
0x23: {  	[tilespmem:$0x60C0] =	vst v1  }
0x24: {  	[tilespmem:$0x60D0] =	vst v1  }
0x25: {  	[tilespmem:$0x60E0] =	vst v1  }
0x26: {  	[tilespmem:$0x60F0] =	vst v1  }
0x27: {  	[tilespmem:$0x6100] =	vst v1  }
0x28: {  	[tilespmem:$0x6110] =	vst v1  }
0x29: {  	[tilespmem:$0x6120] =	vst v1  }
0x2a: {  	[tilespmem:$0x6130] =	vst v1  }
0x2b: {  	[tilespmem:$0x6140] =	vst v1  }
0x2c: {  	[tilespmem:$0x6150] =	vst v1  }
0x2d: {  	[tilespmem:$0x6160] =	vst v1  }
0x2e: {  	[tilespmem:$0x6170] =	vst v1  }
0x2f: {  	[tilespmem:$0x6180] =	vst v1  }
0x30: {  	[tilespmem:$0x6190] =	vst v1  }
0x31: {  	[tilespmem:$0x61A0] =	vst v1  }
0x32: {  	[tilespmem:$0x61B0] =	vst v1  }
0x33: {  	[tilespmem:$0x61C0] =	vst v1  }
0x34: {  	[tilespmem:$0x61D0] =	vst v1  }
0x35: {  	[tilespmem:$0x61E0] =	vst v1;
	s14 =	sshra.s32 s14, $0x2  }
0x36: {  	[tilespmem:$0x61F0] =	vst v1;
	s15 =	sadd.s32 $0x20, s14  }
0x37: {  	v6 =	vld [tilespmem:s15+$0x0];
	_ =	sdelay $0x3  }
0x38: {  	v7 =	vld [tilespmem:s15+$0xFFFFFFE0]  }
0x39: {  	vm0 =	veq.s32 v6, $0x80000000  }
0x3a: {  	v6 =	vsel vm0, $0x0, v6  }
0x3b: {  	v8 =	vxor.u32 $0x7FFFFFFF, v6;
	vm0 =	vlt.s32 v6, $0x0  }
0x3c: {  	v6 =	vsel vm0, v8, v6  }
0x3d: {  	vm6 =	veq.s32 v7, $0x80000000;
	v8 =	vshrl.u32 v6, $0x14  }
0x3e: {  	v7 =	vsel vm6, $0x0, v7;
	v9 =	vshrl.u32 v6, $0x1C;
	v8 =	vand.u32 $0xF0, v8  }
0x3f: {  	s17 =	sadd.s32 $0x40, s15;
	v10 =	vxor.u32 $0x7FFFFFFF, v7;
	vm0 =	vlt.s32 v7, $0x0;
	v8 =	vor.u32 v9, v8  }
0x40: {  	v7 =	vsel vm0, v10, v7;
	v9 =	vld [tilespmem:s17+$0x0];
	v8 =	vxor.u32 $0x8, v8  }
0x41: {  	v10 =	vshrl.u32 v7, $0x14  }
0x42: {  	v11 =	vshrl.u32 v7, $0x1C;
	v10 =	vand.u32 $0xF0, v10  }
0x43: {  	s19 =	simm.s32 $0x2020;
	v10 =	vor.u32 v11, v10;
	v11 =	vld [tilespmem:s17+$0xFFFFFFE0]  }
0x44: {  	[tilespmem:s19+$0x0] =	vst v6  }
0x45: {  	v10 =	vxor.u32 $0x8, v10;
	vm7 =	veq.s32 v9, $0x80000000;
	[tilespmem:v8+s7+$0x0] =	vst.idx.add.s32.msk $0xffff, v2  }
0x46: {  	v8 =	vsel vm7, $0x0, v9;
	v6 =	vld [tilespmem:s15+$0x10]  }
0x47: {  	v9 =	vxor.u32 $0x7FFFFFFF, v8;
	vm0 =	vlt.s32 v8, $0x0  }
0x48: {  	[tilespmem:s19+$0xFFFFFFE0] =	vst v7;
	vm1 =	veq.s32 v11, $0x80000000;
	v7 =	vsel vm0, v9, v8  }
0x49: {  	v8 =	vsel vm1, $0x0, v11;
	v9 =	vshrl.u32 v7, $0x14  }
0x4a: {  	[tilespmem:v10+s7+$0x0] =	vst.idx.add.s32.msk $0xffff, v2;
	v10 =	vxor.u32 $0x7FFFFFFF, v8;
	v12 =	vshrl.u32 v7, $0x1C;
	v9 =	vand.u32 $0xF0, v9  }
0x4b: {  	v11 =	vld [tilespmem:s15+$0xFFFFFFF0];
	vm8 =	vlt.s32 v8, $0x0;
	v9 =	vor.u32 v12, v9;
	vm9 =	veq.s32 v6, $0x80000000  }
0x4c: {  	v8 =	vsel vm8, v10, v8;
	v9 =	vxor.u32 $0x8, v9;
	v6 =	vsel vm9, $0x0, v6  }
0x4d: {  	s15 =	sadd.s32 $0x40, s17;
	v12 =	vshrl.u32 v8, $0x14;
	v10 =	vxor.u32 $0x7FFFFFFF, v6;
	vm10 =	vlt.s32 v6, $0x0  }
0x4e: {  	v13 =	vsel vm10, v10, v6;
	v6 =	vand.u32 $0xF0, v12;
	v10 =	vshrl.u32 v8, $0x1C;
	v12 =	vld [tilespmem:s15+$0x0]  }
0x4f: {  	s16 =	simm.s32 $0x2060;
	v6 =	vor.u32 v10, v6;
	v10 =	vld [tilespmem:s15+$0xFFFFFFE0]  }
0x50: {  	[tilespmem:s16+$0x0] =	vst v7;
	vm11 =	veq.s32 v11, $0x80000000;
	v14 =	vshrl.u32 v13, $0x14  }
0x51: {  	v7 =	vsel vm11, $0x0, v11;
	v15 =	vshrl.u32 v13, $0x1C;
	v14 =	vand.u32 $0xF0, v14;
	[tilespmem:v9+s7+$0x0] =	vst.idx.add.s32.msk $0xffff, v2  }
0x52: {  	vm0 =	vlt.s32 v7, $0x0;
	v9 =	vxor.u32 $0x7FFFFFFF, v7;
	v11 =	vor.u32 v15, v14;
	v15 =	vld [tilespmem:s17+$0x10]  }
0x53: {  	v14 =	vxor.u32 $0x8, v6;
	v16 =	vsel vm0, v9, v7;
	vm12 =	veq.s32 v12, $0x80000000  }
0x54: {  	v11 =	vxor.u32 $0x8, v11;
	vm13 =	veq.s32 v10, $0x80000000;
	v9 =	vsel vm12, $0x0, v12  }
0x55: {  	v12 =	vsel vm13, $0x0, v10;
	v10 =	vxor.u32 $0x7FFFFFFF, v9;
	vm0 =	vlt.s32 v9, $0x0  }
0x56: {  	[tilespmem:s16+$0xFFFFFFE0] =	vst v8;
	v10 =	vsel vm0, v10, v9;
	v9 =	vxor.u32 $0x7FFFFFFF, v12;
	vm14 =	vlt.s32 v12, $0x0  }
0x57: {  	[tilespmem:s19+$0x10] =	vst v13;
	vm15 =	veq.s32 v15, $0x80000000;
	v9 =	vsel vm14, v9, v12;
	v8 =	vshrl.u32 v10, $0x14  }
0x58: {  	[tilespmem:v14+s7+$0x0] =	vst.idx.add.s32.msk $0xffff, v2;
	v12 =	vshrl.u32 v10, $0x1C;
	v13 =	vsel vm15, $0x0, v15;
	v8 =	vand.u32 $0xF0, v8  }
0x59: {  	[tilespmem:v11+s8+$0x0] =	vst.idx.add.s32.msk $0xffff, v2;
	v11 =	vxor.u32 $0x7FFFFFFF, v13;
	vm0 =	vlt.s32 v13, $0x0;
	v8 =	vor.u32 v12, v8  }
0x5a: {  	v12 =	vxor.u32 $0x8, v8;
	v8 =	vsel vm0, v11, v13;
	v11 =	vld [tilespmem:s17+$0xFFFFFFF0]  }
0x5b: {  	v7 =	vshrl.u32 v16, $0x14  }
0x5c: {  	p0 =	por p1, p1;
	v6 =	vshrl.u32 v16, $0x1C;
	v7 =	vand.u32 $0xF0, v7;
	v14 =	vshrl.u32 v9, $0x14  }
0x5d: {  	s18 =	simm.s32 $0x4;
	[tilespmem:s19+$0xFFFFFFF0] =	vst v16;
	s19 =	sadd.s32 $0x40, s15;
	v15 =	vshrl.u32 v9, $0x1C;
	v14 =	vand.u32 $0xF0, v14;
	s17 =	simm.s32 $0x2060;
	v13 =	vshrl.u32 v8, $0x14  }
.LBB2_3:
0x5e: {  	v16 =	vld [tilespmem:s19+$0x0];
	s18 =	sadd.s32 $0x2, s18;
	v14 =	vor.u32 v15, v14;
	v13 =	vand.u32 $0xF0, v13;
	v15 =	vshrl.u32 v8, $0x1C  }
0x5f: {  	vm0 =	veq.s32 v11, $0x80000000;
	s16 =	sadd.s32 $0x40, s16;
	v17 =	vld [tilespmem:s19+$0xFFFFFFE0];
	p1 =	slt.u32 s18, $0x7E;
	v14 =	vxor.u32 $0x8, v14;
	v13 =	vor.u32 v15, v13  }
0x60: {  	v6 =	vor.u32 v6, v7;
	[tilespmem:s16+$0x0] =	vst v10;
	v10 =	vsel vm0, $0x0, v11;
	v11 =	vxor.u32 $0x8, v13  }
0x61: {  	[tilespmem:v12+s7+$0x0] =	vst.idx.add.s32.msk $0xffff, v2;
	v7 =	vxor.u32 $0x7FFFFFFF, v10;
	vm0 =	vlt.s32 v10, $0x0;
	v12 =	vxor.u32 $0x8, v6  }
0x62: {  	[tilespmem:s16+$0xFFFFFFE0] =	vst v9;
	v13 =	vld [tilespmem:s15+$0x10];
	v6 =	vsel vm0, v7, v10  }
0x63: {  	vm0 =	veq.s32 v16, $0x80000000;
	[tilespmem:s17+$0xFFFFFFF0] =	vst v6;
	v7 =	vshrl.u32 v6, $0x14;
	v6 =	vshrl.u32 v6, $0x1C  }
0x64: {  	vm1 =	veq.s32 v17, $0x80000000;
	v9 =	vsel vm0, $0x0, v16;
	v7 =	vand.u32 $0xF0, v7;
	[tilespmem:s17+$0x10] =	vst v8;
	s17 =	smov.u32 s16  }
0x65: {  	v8 =	vsel vm1, $0x0, v17;
	v10 =	vxor.u32 $0x7FFFFFFF, v9;
	vm0 =	vlt.s32 v9, $0x0;
	[tilespmem:v11+s8+$0x0] =	vst.idx.add.s32.msk $0xffff, v2  }
0x66: {  	v11 =	vxor.u32 $0x7FFFFFFF, v8;
	vm1 =	vlt.s32 v8, $0x0;
	v10 =	vsel vm0, v10, v9;
	[tilespmem:v14+s7+$0x0] =	vst.idx.add.s32.msk $0xffff, v2  }
.Ltmp2:
0x67: {  	v9 =	vsel vm1, v11, v8;
	v8 =	vshrl.u32 v10, $0x14;
	v11 =	vld [tilespmem:s15+$0xFFFFFFF0];
	vm0 =	veq.s32 v13, $0x80000000;
	s15 =	smov.u32 s19;
	(pc) =	sbr.rel @p1 .LBB2_3-.Ltmp2, $4  }
0x68: {  	v14 =	vshrl.u32 v10, $0x1C;
	v8 =	vand.u32 $0xF0, v8;
	v13 =	vsel vm0, $0x0, v13;
	[tilespmem:v12+s8+$0x0] =	vst.idx.add.s32.msk $0xffff, v2  }
0x69: {  	v8 =	vor.u32 v14, v8;
	v14 =	vxor.u32 $0x7FFFFFFF, v13;
	vm0 =	vlt.s32 v13, $0x0  }
0x6a: {  	v15 =	vshrl.u32 v9, $0x14;
	v12 =	vxor.u32 $0x8, v8;
	v8 =	vsel vm0, v14, v13  }
0x6b: {  	s19 =	sadd.s32 $0x40, s19;
	v14 =	vand.u32 $0xF0, v15;
	v15 =	vshrl.u32 v9, $0x1C;
	v13 =	vshrl.u32 v8, $0x14  }
0x6c: {  	_ = 	snop  }
0x6d: {  	v14 =	vor.u32 v15, v14  }
0x6e: {  	s16 =	sadd.s32 $0x40, s16;
	v14 =	vxor.u32 $0x8, v14  }
0x6f: {  	[tilespmem:s16+$0x0] =	vst v10  }
0x70: {  	[tilespmem:v12+s7+$0x0] =	vst.idx.add.s32.msk $0xffff, v2  }
0x71: {  	v10 =	vld [tilespmem:s15+$0x10]  }
0x72: {  	[tilespmem:s16+$0xFFFFFFE0] =	vst v9  }
0x73: {  	[tilespmem:v14+s7+$0x0] =	vst.idx.add.s32.msk $0xffff, v2  }
0x74: {  	vm0 =	veq.s32 v11, $0x80000000;
	v6 =	vor.u32 v6, v7;
	v9 =	vand.u32 $0xF0, v13;
	v13 =	vld [tilespmem:s15+$0xFFFFFFF0]  }
0x75: {  	v11 =	vsel vm0, $0x0, v11;
	v6 =	vxor.u32 $0x8, v6;
	v12 =	vshrl.u32 v8, $0x1C  }
0x76: {  	vm1 =	vlt.s32 v11, $0x0;
	v9 =	vor.u32 v12, v9;
	vm0 =	veq.s32 v10, $0x80000000  }
0x77: {  	v9 =	vxor.u32 $0x8, v9;
	v7 =	vsel vm0, $0x0, v10;
	v10 =	vxor.u32 $0x7FFFFFFF, v11  }
0x78: {  	v12 =	vxor.u32 $0x7FFFFFFF, v7;
	vm0 =	vlt.s32 v7, $0x0;
	v10 =	vsel vm1, v10, v11  }
0x79: {  	v7 =	vsel vm0, v12, v7;
	v12 =	vshrl.u32 v10, $0x14;
	vm0 =	veq.s32 v13, $0x80000000  }
0x7a: {  	v16 =	vshrl.u32 v10, $0x1C;
	v11 =	vshrl.u32 v7, $0x14;
	v13 =	vsel vm0, $0x0, v13  }
0x7b: {  	v14 =	vshrl.u32 v7, $0x1C;
	v15 =	vxor.u32 $0x7FFFFFFF, v13;
	vm0 =	vlt.s32 v13, $0x0  }
0x7c: {  	[tilespmem:s17+$0xFFFFFFF0] =	vst v10;
	v10 =	vand.u32 $0xF0, v12;
	v11 =	vand.u32 $0xF0, v11;
	v13 =	vsel vm0, v15, v13  }
0x7d: {  	[tilespmem:s17+$0x10] =	vst v8;
	v8 =	vor.u32 v16, v10;
	v11 =	vor.u32 v14, v11;
	v12 =	vshrl.u32 v13, $0x14  }
0x7e: {  	v8 =	vxor.u32 $0x8, v8;
	v10 =	vshrl.u32 v13, $0x1C;
	v12 =	vand.u32 $0xF0, v12  }
0x7f: {  	[tilespmem:v9+s8+$0x0] =	vst.idx.add.s32.msk $0xffff, v2;
	v11 =	vxor.u32 $0x8, v11;
	v9 =	vor.u32 v10, v12  }
0x80: {  	[tilespmem:v6+s8+$0x0] =	vst.idx.add.s32.msk $0xffff, v2;
	v6 =	vxor.u32 $0x8, v9  }
0x81: {  	[tilespmem:s16+$0x10] =	vst v7  }
0x82: {  	[tilespmem:s16+$0xFFFFFFF0] =	vst v13  }
0x83: {  	[tilespmem:v8+s8+$0x0] =	vst.idx.add.s32.msk $0xffff, v2  }
0x84: {  	[tilespmem:v11+s8+$0x0] =	vst.idx.add.s32.msk $0xffff, v2  }
0x85: {  	[tilespmem:v6+s8+$0x0] =	vst.idx.add.s32.msk $0xffff, v2  }
0x86: {  	v6 =	vld [tilespmem:$0x6000]  }
0x87: {  	v7 =	vld [tilespmem:$0x6010]  }
0x88: {  	v8 =	vld [tilespmem:$0x6020]  }
0x89: {  	v9 =	vld [tilespmem:$0x6030]  }
0x8a: {  	v10 =	vld [tilespmem:$0x6040]  }
0x8b: {  	v11 =	vld [tilespmem:$0x6050]  }
0x8c: {  	v12 =	vld [tilespmem:$0x6060];
	v6 =	vadd.s32 v6, v7  }
0x8d: {  	v7 =	vld [tilespmem:$0x6070];
	v6 =	vadd.s32 v8, v6  }
0x8e: {  	v8 =	vld [tilespmem:$0x6080];
	v6 =	vadd.s32 v9, v6  }
0x8f: {  	v9 =	vld [tilespmem:$0x6090];
	v6 =	vadd.s32 v10, v6  }
0x90: {  	v10 =	vld [tilespmem:$0x60A0];
	v6 =	vadd.s32 v11, v6  }
0x91: {  	v11 =	vld [tilespmem:$0x60B0];
	v6 =	vadd.s32 v12, v6  }
0x92: {  	v12 =	vld [tilespmem:$0x60C0];
	v6 =	vadd.s32 v7, v6  }
0x93: {  	v7 =	vld [tilespmem:$0x60D0];
	v6 =	vadd.s32 v8, v6  }
0x94: {  	v8 =	vld [tilespmem:$0x60E0];
	v6 =	vadd.s32 v9, v6  }
0x95: {  	v9 =	vld [tilespmem:$0x60F0];
	v6 =	vadd.s32 v10, v6  }
0x96: {  	v10 =	vld [tilespmem:$0x6100];
	v6 =	vadd.s32 v11, v6  }
0x97: {  	v11 =	vld [tilespmem:$0x6110];
	v6 =	vadd.s32 v12, v6  }
0x98: {  	v12 =	vld [tilespmem:$0x6120];
	v6 =	vadd.s32 v7, v6  }
0x99: {  	v7 =	vld [tilespmem:$0x6130];
	v6 =	vadd.s32 v8, v6  }
0x9a: {  	v8 =	vld [tilespmem:$0x6140];
	v6 =	vadd.s32 v9, v6  }
0x9b: {  	v9 =	vld [tilespmem:$0x6150];
	v6 =	vadd.s32 v10, v6  }
0x9c: {  	v10 =	vld [tilespmem:$0x6160];
	v6 =	vadd.s32 v11, v6  }
0x9d: {  	v11 =	vld [tilespmem:$0x6170];
	v6 =	vadd.s32 v12, v6  }
0x9e: {  	v12 =	vld [tilespmem:$0x6180];
	v6 =	vadd.s32 v7, v6  }
0x9f: {  	v7 =	vld [tilespmem:$0x6190];
	v6 =	vadd.s32 v8, v6  }
0xa0: {  	v8 =	vld [tilespmem:$0x61A0];
	v6 =	vadd.s32 v9, v6  }
0xa1: {  	v9 =	vld [tilespmem:$0x61B0];
	v6 =	vadd.s32 v10, v6  }
0xa2: {  	v10 =	vld [tilespmem:$0x61C0];
	v6 =	vadd.s32 v11, v6  }
0xa3: {  	v11 =	vld [tilespmem:$0x61D0];
	v6 =	vadd.s32 v12, v6  }
0xa4: {  	v12 =	vld [tilespmem:$0x61E0];
	v6 =	vadd.s32 v7, v6  }
0xa5: {  	v7 =	vld [tilespmem:$0x61F0];
	v6 =	vadd.s32 v8, v6  }
0xa6: {  	v6 =	vadd.s32 v9, v6  }
0xa7: {  	v6 =	vadd.s32 v10, v6  }
0xa8: {  	v6 =	vadd.s32 v11, v6  }
0xa9: {  	v6 =	vadd.s32 v12, v6  }
0xaa: {  	v6 =	vadd.s32 v7, v6  }
0xab: {  	v7 =	vperm.xlane v6, v3;
	_ =	sdelay $0x1  }
0xac: {  	(xrf0) =	vadd.scan.msk.s32 $0xffff, v7;
	_ =	sdelay $0x5  }
0xad: {  	v7, _, _ =	vpop (xrf0)  }
0xae: {  	v7 =	vperm.xlane v7, v3;
	_ =	sdelay $0x1  }
0xaf: {  	vm0 =	vgt.s32 v7, $0x7F  }
0xb0: {  	v8 =	vmpcnt.ones.xlane vm0;
	_ =	sdelay $0x1  }
0xb1: {  	v8 =	vadd.s32 $0xFFFFFFFF, v8  }
0xb2: {  	vm0 =	vgt.s32 v8, $0x0  }
0xb3: {  	v9 =	vnsel vm0, $0x0, v8  }
0xb4: {  	v8 =	vadd.s32 v4, v9;
	_ =	sdelay $0x4  }
0xb5: {  	v10 =	vld.idx.msk [tilespmem:v8+s7+$0x0], $0xffff  }
0xb6: {  	v8 =	vld.idx.msk [tilespmem:v8+s8+$0x0], $0xffff;
	_ =	sdelay $0x4  }
0xb7: {  	v11 =	vadd.s32 v10, v8  }
0xb8: {  	v8 =	vperm.xlane v11, v3;
	_ =	sdelay $0x1  }
0xb9: {  	(xrf0) =	vadd.scan.msk.s32 $0xffff, v8;
	_ =	sdelay $0x5  }
0xba: {  	v7 =	vperm.xlane v7, v9;
	v6 =	vperm.xlane v6, v9;
	v8, _, _ =	vpop (xrf0)  }
0xbb: {  	v8 =	vperm.xlane v8, v3  }
0xbc: {  	v6 =	vsub.s32 v7, v6  }
0xbd: {  	v6 =	vadd.s32 v6, v8  }
0xbe: {  	vm0 =	vgt.s32 v6, $0x7F  }
0xbf: {  	s29 =	simm.s32 $0x0;
	v7 =	vmpcnt.ones.xlane vm0  }
0xc0: {  	v8 =	vld [tilespmem:s29+$0x2000]  }
0xc1: {  	v7 =	vadd.s32 $0xFFFFFFFF, v7  }
0xc2: {  	vm0 =	vgt.s32 v7, $0x0  }
0xc3: {  	v9 =	vshll.u32 v9, $0x4;
	v7 =	vnsel vm0, $0x0, v7  }
0xc4: {  	v9 =	vadd.s32 v7, v9  }
0xc5: {  	v12 =	vadd.s32 $0xFFFFFF80, v9;
	v9 =	vshra.s32 v8, $0x18  }
0xc6: {  	vm0 =	veq.s32 v9, v12  }
0xc7: {  	v10 =	vsel vm0, $0x1, v1  }
0xc8: {  	s30 =	simm.s32 $0x10;
	(xrf0) =	vadd.scan.msk.s32 $0xffff, v10  }
0xc9: {  	v9 =	vld [tilespmem:s30+$0x2000];
	_ =	sdelay $0x3  }
0xca: {  	v6 =	vperm.xlane v6, v7  }
0xcb: {  	s31 =	simm.s32 $0x20;
	v7 =	vperm.xlane v11, v7;
	v10 =	vimm.s32 $0x0;
	v13 =	vshra.s32 v9, $0x18;
	v11, _, _ =	vpop (xrf0)  }
0xcc: {  	vm1 =	veq.s32 v13, v12;
	v14 =	vadd.s32 v11, v10;
	v11 =	vld [tilespmem:s31+$0x2000]  }
0xcd: {  	v13 =	vsel vm1, $0x1, v1  }
0xce: {  	(xrf0) =	vadd.scan.msk.s32 $0xffff, v13  }
0xcf: {  	vm0 =	vmmov vm0  }
0xd0: {  	s15 =	simm.s32 $0xC0;
	vm0 =	vmmov vm0;
	vm1 =	vmmov vm1;
	v13 =	vadd.s32 $0xFFFFFFFF, v14  }
.LBB2_5:
0xd1: {  	s16 =	sshra.s32 s15, $0x2;
	p1 =	sne.s32 s15, $0x3FC0;
	s15 =	sadd.s32 $0x40, s15;
	v14 =	vshra.s32 v11, $0x18;
	v15 =	vmov v11  }
.Ltmp3:
0xd2: {  	v11 =	vld [tilespmem:s16+$0x2000];
	vm2 =	veq.s32 v14, v12;
	v14 =	vmpcnt.ones.xlane vm0;
	(pc) =	sbr.rel @p1 .LBB2_5-.Ltmp3, $4  }
0xd3: {  	v17 =	vsel vm2, $0x1, v1  }
0xd4: {  	(xrf0) =	vadd.scan.msk.s32 $0xffff, v17;
	v16, _, _ =	vpop (xrf0);
	v10 =	vadd.s32 v10, v14  }
0xd5: {  	v14 =	vadd.s32 v16, v10;
	[tilespmem:v13+s9+$0x0] =	vst.idx.msk vm0, v8;
	v8 =	vmovc v9;
	v9 =	vmov v15;
	vm0 =	vmmov vm1  }
0xd6: {  	vm1 =	vmmov vm2;
	v13 =	vadd.s32 $0xFFFFFFFF, v14  }
0xd7: {  	v14 =	vshra.s32 v11, $0x18  }
0xd8: {  	vm2 =	veq.s32 v14, v12  }
0xd9: {  	v12 =	vsel vm2, $0x1, v1  }
0xda: {  	v60 =	vxor.u32 $0x80000000, v7;
	(xrf0) =	vadd.scan.msk.s32 $0xffff, v12  }
0xdb: {  	(xrf0) =	vmax.scan.msk.u32 $0xffff, v60;
	_ =	sdelay $0x3  }
0xdc: {  	v61, _, _ =	vpop (xrf0)  }
0xdd: {  	v62, _, _ =	vpop (xrf0)  }
0xde: {  	v16, _, _ =	vpop (xrf0)  }
0xdf: {  	(v2sf) =	vpush v16, $0xF;
	_ =	sdelay $0x2  }
0xe0: {  	v15 =	vmpcnt.ones.xlane vm0;
	vm1 =	vmmov vm1  }
0xe1: {  	v63 =	vmpcnt.ones.xlane vm1  }
0xe2: {  	v10 =	vadd.s32 v10, v15  }
0xe3: {  	vm2 =	vmmov vm2;
	v12 =	vadd.s32 v61, v10;
	v10 =	vadd.s32 v10, v63  }
0xe4: {  	vm2 =	vmmov vm2;
	v12 =	vadd.s32 $0xFFFFFFFF, v12;
	v10 =	vadd.s32 v62, v10  }
0xe5: {  	v10 =	vadd.s32 $0xFFFFFFFF, v10;
	_ =	sdelay $0x2  }
0xe6: {  	[tilespmem:v13+s9+$0x0] =	vst.idx.msk vm0, v8  }
0xe7: {  	[tilespmem:v12+s9+$0x0] =	vst.idx.msk vm1, v9  }
0xe8: {  	[tilespmem:v10+s9+$0x0] =	vst.idx.msk vm2, v11  }
0xe9: {  	[tilespmem:$0x6000] =	vst v1  }
0xea: {  	[tilespmem:$0x6010] =	vst v1;
	s15 =	spop (v2sf)  }
0xeb: {  	[tilespmem:$0x6020] =	vst v1;
	s16 =	sadd.s32 $0x8000000F, s15  }
0xec: {  	[tilespmem:$0x6030] =	vst v1;
	s17 =	sand.u32 $0xF, s16  }
0xed: {  	[tilespmem:$0x6040] =	vst v1;
	s30 =	sshra.s32 s16, $0x1F;
	p2 =	slt.s32 s16, $0x1;
	p1 =	sne.s32 s17, $0x0  }
0xee: {  	[tilespmem:$0x6050] =	vst v1;
	s17 =	sshrl.u32 s30, $0x1C;
	p1 =	por !p2, !p1  }
0xef: {  	s18 =	simm.s32 $0x1;
	[tilespmem:$0x6060] =	vst v1;
	s17 =	sadd.s32 s17, s16;
	p1 =	por !p1, !p1  }
0xf0: {  	[tilespmem:$0x6070] =	vst v1;
	s16 =	sxor.u32 $0x80000000, s15;
	s31 =	sshra.s32 s17, $0x4;
	s18 =	simm.s32 @!p1 $0x0  }
0xf1: {  	[tilespmem:$0x6080] =	vst v1;
	p2 =	slt.s32 s16, $0x11;
	s17 =	ssub.s32 s31, s18  }
0xf2: {  	[tilespmem:$0x6090] =	vst v1;
	s17 =	simm.s32 @p2 $0x0  }
0xf3: {  	[tilespmem:$0x60A0] =	vst v1;
	p1 =	slt.s32 s17, $0x1  }
.Ltmp4:
0xf4: {  	[tilespmem:$0x60B0] =	vst v1;
	(pc) =	sbr.rel @p1 .LBB2_12-.Ltmp4, $4  }
0xf5: {  	[tilespmem:$0x60C0] =	vst v1  }
0xf6: {  	[tilespmem:$0x60D0] =	vst v1  }
0xf7: {  	[tilespmem:$0x60E0] =	vst v1  }
0xf8: {  	[tilespmem:$0x60F0] =	vst v1;
	v9 =	vmov s16  }
0xf9: {  	p3 =	seq.s32 s17, $0x1  }
.Ltmp5:
0xfa: {  	_ = 	snop;
	(pc) =	sbr.rel @p3 .LBB2_8-.Ltmp5, $3  }
0xfb: {  	_ =	sdelay $0x1  }
0xfc: {  	s18 =	simm.s32 $0x3000;
	s15 =	simm.s32 $0x0  }
0xfd: {  	s19 =	simm.s32 $0x3010;
	p1 =	por $0x0, $0x0;
	v10 =	vld [tilespmem:s18+$0x0];
	s18 =	sadd.s32 $0xFFFFFFFF, s17  }
0xfe: {  	_ =	sdelay $0x3  }
0xff: {  	v11 =	vor.u32 s15, v0;
	p3 =	seq.s32 s18, $0x1;
	v8 =	vshrl.u32 v10, $0xC;
	v10 =	vshrl.u32 v10, $0x14  }
.Ltmp6:
0x100: {  	vm0 =	vlt.s32 v11, v9;
	v8 =	vand.u32 $0xF0, v8;
	v12 =	vand.u32 $0xF, v10;
	v10 =	vld [tilespmem:s19+$0x0];
	(pc) =	sbr.rel @p3 .LBB2_11-.Ltmp6, $3  }
0x101: {  	v8 =	vor.u32 v12, v8;
	_ =	sdelay $0x1  }
0x102: {  	s18 =	sadd.s32 $0xFFFFFFFF, s18  }
0x103: {  	s15 =	simm.s32 $0x10;
	p1 =	por $0x1, $0x1;
	s19 =	simm.s32 $0x3020  }
.LBB2_10:
0x104: {  	v11 =	vor.u32 s15, v0;
	v12 =	vshrl.u32 v10, $0xC;
	v13 =	vshrl.u32 v10, $0x14;
	v10 =	vld [tilespmem:s19+$0x0];
	p3 =	seq.s32 s18, $0x1  }
.Ltmp7:
0x105: {  	s18 =	sadd.s32 $0xFFFFFFFF, s18;
	v12 =	vand.u32 $0xF0, v12;
	v13 =	vand.u32 $0xF, v13;
	[tilespmem:v8+s7+$0x0] =	vst.idx.add.s32.msk vm0, v2;
	vm0 =	vlt.s32 v11, v9;
	(pc) =	sbr.rel @!p3 .LBB2_10-.Ltmp7, $2  }
0x106: {  	v8 =	vor.u32 v13, v12;
	_ =	sdelay $0x2  }
0x107: {  	s19 =	sadd.s32 $0x10, s19;
	s15 =	sadd.s32 $0x10, s15  }
.LBB2_11:
0x108: {  	v11 =	vor.u32 s15, v0;
	v12 =	vshrl.u32 v10, $0xC;
	v10 =	vshrl.u32 v10, $0x14  }
0x109: {  	vm1 =	vlt.s32 v11, v9;
	v11 =	vand.u32 $0xF0, v12;
	v10 =	vand.u32 $0xF, v10  }
0x10a: {  	v10 =	vor.u32 v10, v11;
	_ =	sdelay $0x3  }
0x10b: {  	[tilespmem:v8+s7+$0x0] =	vst.idx.add.s32.msk @p1 vm0, v2  }
0x10c: {  	[tilespmem:v10+s7+$0x0] =	vst.idx.add.s32.msk vm1, v2  }
.LBB2_12:
0x10d: {  	v8 =	vld [tilespmem:$0x6000]  }
0x10e: {  	v10 =	vld [tilespmem:$0x6010]  }
0x10f: {  	v11 =	vld [tilespmem:$0x6020]  }
0x110: {  	v12 =	vld [tilespmem:$0x6030]  }
0x111: {  	v13 =	vld [tilespmem:$0x6040]  }
0x112: {  	v14 =	vld [tilespmem:$0x6050]  }
0x113: {  	v15 =	vld [tilespmem:$0x6060];
	v8 =	vadd.s32 v8, v10  }
0x114: {  	v10 =	vld [tilespmem:$0x6070];
	v8 =	vadd.s32 v11, v8  }
0x115: {  	v11 =	vld [tilespmem:$0x6080];
	v8 =	vadd.s32 v12, v8  }
0x116: {  	v57 =	vld [tilespmem:$0x6090];
	v8 =	vadd.s32 v13, v8  }
0x117: {  	v58 =	vld [tilespmem:$0x60A0];
	v8 =	vadd.s32 v14, v8  }
0x118: {  	v59 =	vld [tilespmem:$0x60B0];
	v8 =	vadd.s32 v15, v8  }
0x119: {  	v60 =	vld [tilespmem:$0x60C0];
	v8 =	vadd.s32 v10, v8  }
0x11a: {  	v10 =	vld [tilespmem:$0x60D0];
	v8 =	vadd.s32 v11, v8  }
0x11b: {  	v11 =	vld [tilespmem:$0x60E0];
	v8 =	vadd.s32 v57, v8  }
0x11c: {  	v61 =	vld [tilespmem:$0x60F0];
	v8 =	vadd.s32 v58, v8  }
0x11d: {  	v8 =	vadd.s32 v59, v8  }
0x11e: {  	v8 =	vadd.s32 v60, v8  }
0x11f: {  	v8 =	vadd.s32 v10, v8  }
0x120: {  	v8 =	vadd.s32 v11, v8  }
0x121: {  	v8 =	vadd.s32 v61, v8  }
0x122: {  	v10 =	vperm.xlane v8, v3;
	_ =	sdelay $0x1  }
0x123: {  	(xrf0) =	vadd.scan.msk.s32 $0xffff, v10;
	_ =	sdelay $0x5  }
0x124: {  	v10, _, _ =	vpop (xrf0)  }
0x125: {  	v6 =	vsub.s32 v7, v6;
	v7 =	vperm.xlane v10, v3  }
0x126: {  	v6 =	vadd.s32 $0x80, v6  }
0x127: {  	vm0 =	vge.s32 v7, v6  }
0x128: {  	v10 =	vmpcnt.ones.xlane vm0;
	_ =	sdelay $0x1  }
0x129: {  	v10 =	vadd.s32 $0xFFFFFFFF, v10  }
0x12a: {  	vm13 =	vgt.s32 v10, $0x0  }
0x12b: {  	v11 =	vnsel vm13, $0x0, v10  }
0x12c: {  	v10 =	vadd.s32 v4, v11;
	_ =	sdelay $0x4  }
0x12d: {  	v10 =	vld.idx.msk [tilespmem:v10+s7+$0x0], $0xffff;
	_ =	sdelay $0x4  }
0x12e: {  	v62 =	vperm.xlane v10, v3;
	_ =	sdelay $0x1  }
0x12f: {  	(xrf0) =	vadd.scan.msk.s32 $0xffff, v62;
	_ =	sdelay $0x5  }
0x130: {  	v7 =	vperm.xlane v7, v11;
	v8 =	vperm.xlane v8, v11;
	v12, _, _ =	vpop (xrf0)  }
0x131: {  	v12 =	vperm.xlane v12, v3  }
0x132: {  	v7 =	vsub.s32 v7, v8  }
0x133: {  	v7 =	vadd.s32 v7, v12  }
0x134: {  	v63 =	vld [tilespmem:$0x3000];
	p1 =	sgt.s32 s17, $0x0;
	vm14 =	vge.s32 v7, v6  }
.Ltmp8:
0x135: {  	v8 =	vmpcnt.ones.xlane vm14;
	(pc) =	sbr.rel @!p1 .LBB2_24-.Ltmp8, $4  }
0x136: {  	_ = 	snop  }
0x137: {  	v8 =	vadd.s32 $0xFFFFFFFF, v8  }
0x138: {  	vm15 =	vgt.s32 v8, $0x0  }
0x139: {  	[tilespmem:$0x4000] =	vst v63;
	v8 =	vnsel vm15, $0x0, v8  }
0x13a: {  	p5 =	seq.s32 s17, $0x1  }
.Ltmp9:
0x13b: {  	_ = 	snop;
	(pc) =	sbr.rel @p5 .LBB2_14-.Ltmp9, $3  }
0x13c: {  	_ =	sdelay $0x1  }
0x13d: {  	v11 =	vshll.u32 v11, $0x4;
	s18 =	simm.s32 $0x3000;
	s15 =	simm.s32 $0x0;
	s17 =	sadd.s32 $0xFFFFFFFF, s17  }
0x13e: {  	p1 =	por $0x0, $0x0;
	p3 =	por $0x0, $0x0;
	p4 =	por $0x0, $0x0;
	v14 =	vadd.s32 v11, v8;
	v11 =	vimm.s32 $0x0;
	v12 =	vld [tilespmem:s18+$0x0]  }
0x13f: {  	_ =	sdelay $0x2  }
0x140: {  	p5 =	seq.s32 s17, $0x1  }
.Ltmp10:
0x141: {  	s18 =	simm.s32 $0x3010;
	v13 =	vshrl.u32 v12, $0x10;
	(pc) =	sbr.rel @p5 .LBB2_16-.Ltmp10, $3  }
0x142: {  	v16 =	vand.u32 $0xFF, v13;
	v13 =	vld [tilespmem:s18+$0x0];
	_ =	sdelay $0x1  }
0x143: {  	v15 =	vor.u32 s15, v0  }
0x144: {  	p1 =	por $0x1, $0x1;
	vm3 =	vlt.s32 v15, v9;
	s18 =	sadd.s32 $0xFFFFFFFF, s17;
	vm4 =	veq.s32 v16, v14  }
0x145: {  	p5 =	seq.s32 s18, $0x1  }
.Ltmp11:
0x146: {  	_ = 	snop;
	(pc) =	sbr.rel @p5 .LBB2_18-.Ltmp11, $4  }
0x147: {  	s19 =	simm.s32 $0x3020  }
0x148: {  	vm0 =	vmand vm3, vm4;
	s17 =	simm.s32 $0x10;
	v15 =	vshrl.u32 v13, $0x10;
	v19 =	vld [tilespmem:s19+$0x0]  }
0x149: {  	v16 =	vsel vm0, $0x1, v1;
	v17 =	vor.u32 s17, v0;
	v15 =	vand.u32 $0xFF, v15  }
0x14a: {  	p3 =	por $0x1, $0x1;
	vm1 =	vmmov vm0;
	s19 =	sadd.s32 $0xFFFFFFFF, s18;
	(xrf0) =	vadd.scan.msk.s32 $0xffff, v16;
	vm3 =	vlt.s32 v17, v9;
	vm4 =	veq.s32 v15, v14  }
0x14b: {  	_ =	sdelay $0x3  }
0x14c: {  	vm2 =	vmand vm3, vm4  }
0x14d: {  	p5 =	seq.s32 s19, $0x1;
	v17 =	vsel vm2, $0x1, v1;
	v15, _, _ =	vpop (xrf0)  }
.Ltmp12:
0x14e: {  	vm0 =	vmmov vm1;
	v18 =	vshrl.u32 v19, $0x10;
	(xrf0) =	vadd.scan.msk.s32 $0xffff, v17;
	v15 =	vadd.s32 v15, v11;
	(pc) =	sbr.rel @p5 .LBB2_20-.Ltmp12, $4  }
0x14f: {  	v16 =	vadd.s32 $0xFFFFFFFF, v15;
	v15 =	vand.u32 $0xFF, v18  }
0x150: {  	s17 =	simm.s32 $0x20  }
0x151: {  	s18 =	simm.s32 $0x3030;
	vm2 =	vmmov vm2;
	v20 =	vor.u32 s17, v0;
	v21 =	vmpcnt.ones.xlane vm0  }
0x152: {  	s19 =	sadd.s32 $0xFFFFFFFF, s19;
	p4 =	por $0x1, $0x1;
	v22 =	vld [tilespmem:s18+$0x0];
	vm3 =	vlt.s32 v20, v9;
	v17 =	vimm.s32 $0x0;
	vm4 =	veq.s32 v15, v14;
	v15 =	vmovc v12  }
.LBB2_21:
0x153: {  	p5 =	seq.s32 s19, $0x1;
	vm3 =	vmand vm3, vm4  }
0x154: {  	v18 =	vsel vm3, $0x1, v1;
	v20, _, _ =	vpop (xrf0);
	[tilespmem:v16+s10+$0x0] =	vst.idx.msk vm0, v15;
	v17 =	vadd.s32 v17, v21;
	v15 =	vmov v13  }
.Ltmp13:
0x155: {  	v13 =	vmovc v19;
	vm0 =	vmmov vm2;
	vm2 =	vmmov vm3;
	(xrf0) =	vadd.scan.msk.s32 $0xffff, v18;
	v16 =	vadd.s32 v20, v17;
	(pc) =	sbr.rel @!p5 .LBB2_21-.Ltmp13, $4  }
0x156: {  	v16 =	vadd.s32 $0xFFFFFFFF, v16  }
0x157: {  	s17 =	sadd.s32 $0x10, s17;
	v18 =	vshrl.u32 v22, $0x10;
	v19 =	vmov v22  }
0x158: {  	s18 =	sadd.s32 $0x10, s18;
	v20 =	vor.u32 s17, v0;
	v18 =	vand.u32 $0xFF, v18  }
0x159: {  	s19 =	sadd.s32 $0xFFFFFFFF, s19;
	v21 =	vmpcnt.ones.xlane vm0;
	vm3 =	vlt.s32 v20, v9;
	v22 =	vld [tilespmem:s18+$0x0];
	vm4 =	veq.s32 v18, v14  }
0x15a: {  	_ =	sdelay $0x3  }
0x15b: {  	v20 =	vmov v13;
	v18 =	vmov v19;
	v13 =	vmov v22  }
.LBB2_23:
0x15c: {  	s17 =	sadd.s32 @p1 $0x10, s17  }
0x15d: {  	v19 =	vshrl.u32 v13, $0x10;
	s15 =	smov.u32 @p1 s17  }
0x15e: {  	vm3 =	vmand @p1 vm3, vm4;
	v19 =	vand.u32 $0xFF, v19;
	v22 =	vor.u32 s15, v0  }
0x15f: {  	vm5 =	veq.s32 v19, v14;
	vm14 =	vlt.s32 v22, v9;
	v9 =	vsel @p1 vm3, $0x1, v1  }
0x160: {  	vm2 =	vmmov @p3 vm2;
	v14 =	vadd.s32 @p4 v17, v21;
	vm4 =	vmand vm14, vm5;
	(xrf0) =	vadd.scan.msk.s32 @p1 $0xffff, v9  }
0x161: {  	v17 =	vmpcnt.ones.xlane @p3 vm2;
	vm3 =	vmmov @p1 vm3;
	v9 =	vsel vm4, $0x1, v1  }
0x162: {  	vm1 =	vmmov @p1 vm3;
	(xrf0) =	vadd.scan.msk.s32 $0xffff, v9  }
0x163: {  	v17 =	vpsel p3, v17, v0;
	vm1 =	vmmov @p1 vm1  }
0x164: {  	vm2 =	vmmov @p3 vm2;
	v14 =	vpsel p4, v14, v11;
	v19 =	vmpcnt.ones.xlane @p1 vm1;
	v9, _, _ =	vpop @p3 (xrf0)  }
0x165: {  	vm15 =	vmmov vm4;
	v9 =	vadd.s32 @p3 v9, v14;
	v14 =	vadd.s32 @p3 v14, v17  }
0x166: {  	vm1 =	vmmov @p1 vm1;
	v19 =	vpsel p1, v19, v0;
	v17, _, _ =	vpop @p1 (xrf0);
	v14 =	vpsel p3, v14, v11  }
0x167: {  	v9 =	vadd.s32 @p3 $0xFFFFFFFF, v9;
	v17 =	vadd.s32 @p1 v17, v14;
	v14 =	vadd.s32 @p1 v14, v19  }
0x168: {  	v9 =	vpsel p3, v9, v0;
	v17 =	vadd.s32 @p1 $0xFFFFFFFF, v17;
	v63, _, _ =	vpop (xrf0);
	v11 =	vpsel p1, v14, v11  }
0x169: {  	vm3 =	vmmov vm15;
	v14 =	vpsel p1, v17, v0;
	v11 =	vadd.s32 v63, v11  }
0x16a: {  	v11 =	vadd.s32 $0xFFFFFFFF, v11  }
0x16b: {  	v17 =	vmov @p1 v18;
	v18 =	vmov @p3 v20  }
0x16c: {  	[tilespmem:v16+s10+$0x0] =	vst.idx.msk @p4 vm0, v15;
	v12 =	vpsel p1, v17, v12;
	v15 =	vpsel p3, v18, v0  }
0x16d: {  	[tilespmem:v9+s10+$0x0] =	vst.idx.msk @p3 vm2, v15;
	v9 =	vpsel p1, v12, v0  }
0x16e: {  	[tilespmem:v14+s10+$0x0] =	vst.idx.msk @p1 vm1, v9  }
0x16f: {  	[tilespmem:v11+s10+$0x0] =	vst.idx.msk vm3, v13  }
.LBB2_24:
0x170: {  	v10 =	vperm.xlane v10, v8;
	_ =	sdelay $0x1  }
0x171: {  	v9 =	vxor.u32 $0x80000000, v10  }
0x172: {  	(xrf0) =	vmax.scan.msk.u32 $0xffff, v9;
	_ =	sdelay $0x5  }
0x173: {  	v9, _, _ =	vpop (xrf0)  }
0x174: {  	(v2sf) =	vpush v9, $0xF;
	_ =	sdelay $0xe  }
0x175: {  	s15 =	spop (v2sf)  }
0x176: {  	[tilespmem:$0x6000] =	vst v1;
	s15 =	sxor.u32 $0x80000000, s15  }
0x177: {  	[tilespmem:$0x6010] =	vst v1;
	s15 =	smov.u32 @p2 s16  }
0x178: {  	[tilespmem:$0x6020] =	vst v1;
	s16 =	sadd.s32 $0xF, s15  }
0x179: {  	[tilespmem:$0x6030] =	vst v1;
	s17 =	sand.u32 $0xF, s16  }
0x17a: {  	[tilespmem:$0x6040] =	vst v1;
	s31 =	sshra.s32 s16, $0x1F;
	p3 =	slt.s32 s16, $0x1;
	p1 =	sne.s32 s17, $0x0  }
0x17b: {  	[tilespmem:$0x6050] =	vst v1;
	s17 =	sshrl.u32 s31, $0x1C;
	p1 =	por !p3, !p1  }
0x17c: {  	[tilespmem:$0x6060] =	vst v1;
	s16 =	sadd.s32 s17, s16;
	s17 =	simm.s32 $0x1;
	p1 =	por !p1, !p1  }
0x17d: {  	[tilespmem:$0x6070] =	vst v1;
	s16 =	sshra.s32 s16, $0x4;
	s17 =	simm.s32 @!p1 $0x0  }
0x17e: {  	[tilespmem:$0x6080] =	vst v1;
	p1 =	slt.s32 s15, $0x11;
	s17 =	ssub.s32 s16, s17  }
0x17f: {  	[tilespmem:$0x6090] =	vst v1;
	s17 =	simm.s32 @p1 $0x0  }
0x180: {  	[tilespmem:$0x60A0] =	vst v1;
	p3 =	sgt.s32 s17, $0x0  }
.Ltmp14:
0x181: {  	[tilespmem:$0x60B0] =	vst v1;
	(pc) =	sbr.rel @!p3 .LBB2_30-.Ltmp14, $4  }
0x182: {  	[tilespmem:$0x60C0] =	vst v1  }
0x183: {  	[tilespmem:$0x60D0] =	vst v1  }
0x184: {  	[tilespmem:$0x60E0] =	vst v1  }
0x185: {  	[tilespmem:$0x60F0] =	vst v1;
	v9 =	vmov s15  }
0x186: {  	p5 =	seq.s32 s17, $0x1  }
.Ltmp15:
0x187: {  	_ = 	snop;
	(pc) =	sbr.rel @p5 .LBB2_26-.Ltmp15, $3  }
0x188: {  	_ =	sdelay $0x1  }
0x189: {  	s18 =	simm.s32 $0x4000;
	s16 =	simm.s32 $0x0  }
0x18a: {  	s19 =	simm.s32 $0x4010;
	p4 =	por $0x0, $0x0;
	v12 =	vld [tilespmem:s18+$0x0];
	s18 =	sadd.s32 $0xFFFFFFFF, s17  }
0x18b: {  	_ =	sdelay $0x3  }
0x18c: {  	v13 =	vor.u32 s16, v0;
	p5 =	seq.s32 s18, $0x1;
	v11 =	vshrl.u32 v12, $0x4;
	v12 =	vshrl.u32 v12, $0xC  }
.Ltmp16:
0x18d: {  	vm0 =	vlt.s32 v13, v9;
	v11 =	vand.u32 $0xF0, v11;
	v14 =	vand.u32 $0xF, v12;
	v12 =	vld [tilespmem:s19+$0x0];
	(pc) =	sbr.rel @p5 .LBB2_29-.Ltmp16, $3  }
0x18e: {  	v11 =	vor.u32 v14, v11;
	_ =	sdelay $0x1  }
0x18f: {  	s18 =	sadd.s32 $0xFFFFFFFF, s18  }
0x190: {  	s16 =	simm.s32 $0x10;
	p4 =	por $0x1, $0x1;
	s19 =	simm.s32 $0x4020  }
.LBB2_28:
0x191: {  	v13 =	vor.u32 s16, v0;
	v14 =	vshrl.u32 v12, $0x4;
	v15 =	vshrl.u32 v12, $0xC;
	v12 =	vld [tilespmem:s19+$0x0];
	p5 =	seq.s32 s18, $0x1  }
.Ltmp17:
0x192: {  	s18 =	sadd.s32 $0xFFFFFFFF, s18;
	v14 =	vand.u32 $0xF0, v14;
	v15 =	vand.u32 $0xF, v15;
	[tilespmem:v11+s7+$0x0] =	vst.idx.add.s32.msk vm0, v2;
	vm0 =	vlt.s32 v13, v9;
	(pc) =	sbr.rel @!p5 .LBB2_28-.Ltmp17, $2  }
0x193: {  	v11 =	vor.u32 v15, v14;
	_ =	sdelay $0x2  }
0x194: {  	s19 =	sadd.s32 $0x10, s19;
	s16 =	sadd.s32 $0x10, s16  }
.LBB2_29:
0x195: {  	v13 =	vor.u32 s16, v0;
	v14 =	vshrl.u32 v12, $0x4;
	v62 =	vshrl.u32 v12, $0xC  }
0x196: {  	vm1 =	vlt.s32 v13, v9;
	v63 =	vand.u32 $0xF0, v14;
	v12 =	vand.u32 $0xF, v62  }
0x197: {  	v12 =	vor.u32 v12, v63;
	_ =	sdelay $0x3  }
0x198: {  	[tilespmem:v11+s7+$0x0] =	vst.idx.add.s32.msk @p4 vm0, v2  }
0x199: {  	[tilespmem:v12+s7+$0x0] =	vst.idx.add.s32.msk vm1, v2  }
.LBB2_30:
0x19a: {  	v11 =	vld [tilespmem:$0x6000]  }
0x19b: {  	v12 =	vld [tilespmem:$0x6010]  }
0x19c: {  	v13 =	vld [tilespmem:$0x6020]  }
0x19d: {  	v14 =	vld [tilespmem:$0x6030]  }
0x19e: {  	v15 =	vld [tilespmem:$0x6040]  }
0x19f: {  	v16 =	vld [tilespmem:$0x6050]  }
0x1a0: {  	v17 =	vld [tilespmem:$0x6060];
	v11 =	vadd.s32 v11, v12  }
0x1a1: {  	v52 =	vld [tilespmem:$0x6070];
	v11 =	vadd.s32 v13, v11  }
0x1a2: {  	v53 =	vld [tilespmem:$0x6080];
	v11 =	vadd.s32 v14, v11  }
0x1a3: {  	v54 =	vld [tilespmem:$0x6090];
	v11 =	vadd.s32 v15, v11  }
0x1a4: {  	v55 =	vld [tilespmem:$0x60A0];
	v11 =	vadd.s32 v16, v11  }
0x1a5: {  	v56 =	vld [tilespmem:$0x60B0];
	v11 =	vadd.s32 v17, v11  }
0x1a6: {  	v57 =	vld [tilespmem:$0x60C0];
	v11 =	vadd.s32 v52, v11  }
0x1a7: {  	v58 =	vld [tilespmem:$0x60D0];
	v11 =	vadd.s32 v53, v11  }
0x1a8: {  	v59 =	vld [tilespmem:$0x60E0];
	v11 =	vadd.s32 v54, v11  }
0x1a9: {  	v60 =	vld [tilespmem:$0x60F0];
	v11 =	vadd.s32 v55, v11  }
0x1aa: {  	v11 =	vadd.s32 v56, v11  }
0x1ab: {  	v11 =	vadd.s32 v57, v11  }
0x1ac: {  	v11 =	vadd.s32 v58, v11  }
0x1ad: {  	v11 =	vadd.s32 v59, v11  }
0x1ae: {  	v61 =	vadd.s32 v60, v11  }
0x1af: {  	v11 =	vperm.xlane v61, v3;
	_ =	sdelay $0x1  }
0x1b0: {  	(xrf0) =	vadd.scan.msk.s32 $0xffff, v11;
	_ =	sdelay $0x3  }
0x1b1: {  	v7 =	vperm.xlane v7, v8;
	_ =	sdelay $0x1  }
0x1b2: {  	v7 =	vsub.s32 v10, v7;
	v8, _, _ =	vpop (xrf0)  }
0x1b3: {  	v7 =	vpsel p2, $0x0, v7;
	v8 =	vperm.xlane v8, v3  }
0x1b4: {  	v6 =	vadd.s32 v6, v7  }
0x1b5: {  	vm0 =	vge.s32 v8, v6  }
0x1b6: {  	v7 =	vmpcnt.ones.xlane vm0;
	_ =	sdelay $0x1  }
0x1b7: {  	v7 =	vadd.s32 $0xFFFFFFFF, v7  }
0x1b8: {  	vm13 =	vgt.s32 v7, $0x0  }
0x1b9: {  	v11 =	vnsel vm13, $0x0, v7  }
0x1ba: {  	v7 =	vadd.s32 v4, v11;
	_ =	sdelay $0x4  }
0x1bb: {  	v10 =	vld.idx.msk [tilespmem:v7+s7+$0x0], $0xffff;
	_ =	sdelay $0x4  }
0x1bc: {  	v7 =	vperm.xlane v10, v3;
	_ =	sdelay $0x1  }
0x1bd: {  	(xrf0) =	vadd.scan.msk.s32 $0xffff, v7;
	_ =	sdelay $0x5  }
0x1be: {  	v7 =	vperm.xlane v8, v11;
	v8 =	vperm.xlane v61, v11;
	v62, _, _ =	vpop (xrf0)  }
0x1bf: {  	v12 =	vperm.xlane v62, v3  }
0x1c0: {  	v7 =	vsub.s32 v7, v8  }
0x1c1: {  	v7 =	vadd.s32 v7, v12  }
0x1c2: {  	v63 =	vld [tilespmem:$0x4000];
	vm14 =	vge.s32 v7, v6  }
.Ltmp18:
0x1c3: {  	v8 =	vmpcnt.ones.xlane vm14;
	(pc) =	sbr.rel @!p3 .LBB2_42-.Ltmp18, $4  }
0x1c4: {  	_ = 	snop  }
0x1c5: {  	v8 =	vadd.s32 $0xFFFFFFFF, v8  }
0x1c6: {  	vm15 =	vgt.s32 v8, $0x0  }
0x1c7: {  	[tilespmem:$0x5000] =	vst v63;
	v8 =	vnsel vm15, $0x0, v8  }
0x1c8: {  	p5 =	seq.s32 s17, $0x1  }
.Ltmp19:
0x1c9: {  	_ = 	snop;
	(pc) =	sbr.rel @p5 .LBB2_32-.Ltmp19, $3  }
0x1ca: {  	_ =	sdelay $0x1  }
0x1cb: {  	v11 =	vshll.u32 v11, $0x4;
	s18 =	simm.s32 $0x4000;
	s16 =	simm.s32 $0x0;
	s17 =	sadd.s32 $0xFFFFFFFF, s17  }
0x1cc: {  	p2 =	por $0x0, $0x0;
	p3 =	por $0x0, $0x0;
	p4 =	por $0x0, $0x0;
	v14 =	vadd.s32 v11, v8;
	v11 =	vimm.s32 $0x0;
	v12 =	vld [tilespmem:s18+$0x0]  }
0x1cd: {  	_ =	sdelay $0x2  }
0x1ce: {  	p5 =	seq.s32 s17, $0x1  }
.Ltmp20:
0x1cf: {  	s18 =	simm.s32 $0x4010;
	v13 =	vshrl.u32 v12, $0x8;
	(pc) =	sbr.rel @p5 .LBB2_34-.Ltmp20, $3  }
0x1d0: {  	v16 =	vand.u32 $0xFF, v13;
	v13 =	vld [tilespmem:s18+$0x0];
	_ =	sdelay $0x1  }
0x1d1: {  	v15 =	vor.u32 s16, v0  }
0x1d2: {  	p2 =	por $0x1, $0x1;
	vm3 =	vlt.s32 v15, v9;
	s18 =	sadd.s32 $0xFFFFFFFF, s17;
	vm4 =	veq.s32 v16, v14  }
0x1d3: {  	p5 =	seq.s32 s18, $0x1  }
.Ltmp21:
0x1d4: {  	_ = 	snop;
	(pc) =	sbr.rel @p5 .LBB2_36-.Ltmp21, $4  }
0x1d5: {  	s19 =	simm.s32 $0x4020  }
0x1d6: {  	vm0 =	vmand vm3, vm4;
	s17 =	simm.s32 $0x10;
	v15 =	vshrl.u32 v13, $0x8;
	v19 =	vld [tilespmem:s19+$0x0]  }
0x1d7: {  	v16 =	vsel vm0, $0x1, v1;
	v17 =	vor.u32 s17, v0;
	v15 =	vand.u32 $0xFF, v15  }
0x1d8: {  	p3 =	por $0x1, $0x1;
	vm1 =	vmmov vm0;
	s19 =	sadd.s32 $0xFFFFFFFF, s18;
	(xrf0) =	vadd.scan.msk.s32 $0xffff, v16;
	vm3 =	vlt.s32 v17, v9;
	vm4 =	veq.s32 v15, v14  }
0x1d9: {  	_ =	sdelay $0x3  }
0x1da: {  	vm2 =	vmand vm3, vm4  }
0x1db: {  	p5 =	seq.s32 s19, $0x1;
	v17 =	vsel vm2, $0x1, v1;
	v15, _, _ =	vpop (xrf0)  }
.Ltmp22:
0x1dc: {  	vm0 =	vmmov vm1;
	v18 =	vshrl.u32 v19, $0x8;
	(xrf0) =	vadd.scan.msk.s32 $0xffff, v17;
	v15 =	vadd.s32 v15, v11;
	(pc) =	sbr.rel @p5 .LBB2_38-.Ltmp22, $4  }
0x1dd: {  	v16 =	vadd.s32 $0xFFFFFFFF, v15;
	v15 =	vand.u32 $0xFF, v18  }
0x1de: {  	s17 =	simm.s32 $0x20  }
0x1df: {  	s18 =	simm.s32 $0x4030;
	vm2 =	vmmov vm2;
	v20 =	vor.u32 s17, v0;
	v21 =	vmpcnt.ones.xlane vm0  }
0x1e0: {  	s19 =	sadd.s32 $0xFFFFFFFF, s19;
	p4 =	por $0x1, $0x1;
	v22 =	vld [tilespmem:s18+$0x0];
	vm3 =	vlt.s32 v20, v9;
	v17 =	vimm.s32 $0x0;
	vm4 =	veq.s32 v15, v14;
	v15 =	vmovc v12  }
.LBB2_39:
0x1e1: {  	p5 =	seq.s32 s19, $0x1;
	vm3 =	vmand vm3, vm4  }
0x1e2: {  	v18 =	vsel vm3, $0x1, v1;
	v20, _, _ =	vpop (xrf0);
	[tilespmem:v16+s11+$0x0] =	vst.idx.msk vm0, v15;
	v17 =	vadd.s32 v17, v21;
	v15 =	vmov v13  }
.Ltmp23:
0x1e3: {  	v13 =	vmovc v19;
	vm0 =	vmmov vm2;
	vm2 =	vmmov vm3;
	(xrf0) =	vadd.scan.msk.s32 $0xffff, v18;
	v16 =	vadd.s32 v20, v17;
	(pc) =	sbr.rel @!p5 .LBB2_39-.Ltmp23, $4  }
0x1e4: {  	v16 =	vadd.s32 $0xFFFFFFFF, v16  }
0x1e5: {  	s17 =	sadd.s32 $0x10, s17;
	v18 =	vshrl.u32 v22, $0x8;
	v19 =	vmov v22  }
0x1e6: {  	s18 =	sadd.s32 $0x10, s18;
	v20 =	vor.u32 s17, v0;
	v18 =	vand.u32 $0xFF, v18  }
0x1e7: {  	s19 =	sadd.s32 $0xFFFFFFFF, s19;
	v21 =	vmpcnt.ones.xlane vm0;
	vm3 =	vlt.s32 v20, v9;
	v22 =	vld [tilespmem:s18+$0x0];
	vm4 =	veq.s32 v18, v14  }
0x1e8: {  	_ =	sdelay $0x3  }
0x1e9: {  	v20 =	vmov v13;
	v18 =	vmov v19;
	v13 =	vmov v22  }
.LBB2_41:
0x1ea: {  	s17 =	sadd.s32 @p2 $0x10, s17  }
0x1eb: {  	v19 =	vshrl.u32 v13, $0x8;
	s16 =	smov.u32 @p2 s17  }
0x1ec: {  	vm3 =	vmand @p2 vm3, vm4;
	v19 =	vand.u32 $0xFF, v19;
	v22 =	vor.u32 s16, v0  }
0x1ed: {  	vm5 =	veq.s32 v19, v14;
	vm14 =	vlt.s32 v22, v9;
	v9 =	vsel @p2 vm3, $0x1, v1  }
0x1ee: {  	vm2 =	vmmov @p3 vm2;
	v14 =	vadd.s32 @p4 v17, v21;
	vm4 =	vmand vm14, vm5;
	(xrf0) =	vadd.scan.msk.s32 @p2 $0xffff, v9  }
0x1ef: {  	v17 =	vmpcnt.ones.xlane @p3 vm2;
	vm3 =	vmmov @p2 vm3;
	v9 =	vsel vm4, $0x1, v1  }
0x1f0: {  	vm1 =	vmmov @p2 vm3;
	(xrf0) =	vadd.scan.msk.s32 $0xffff, v9  }
0x1f1: {  	v17 =	vpsel p3, v17, v0;
	vm1 =	vmmov @p2 vm1  }
0x1f2: {  	vm2 =	vmmov @p3 vm2;
	v14 =	vpsel p4, v14, v11;
	v19 =	vmpcnt.ones.xlane @p2 vm1;
	v9, _, _ =	vpop @p3 (xrf0)  }
0x1f3: {  	vm15 =	vmmov vm4;
	v9 =	vadd.s32 @p3 v9, v14;
	v14 =	vadd.s32 @p3 v14, v17  }
0x1f4: {  	vm1 =	vmmov @p2 vm1;
	v19 =	vpsel p2, v19, v0;
	v17, _, _ =	vpop @p2 (xrf0);
	v14 =	vpsel p3, v14, v11  }
0x1f5: {  	v9 =	vadd.s32 @p3 $0xFFFFFFFF, v9;
	v17 =	vadd.s32 @p2 v17, v14;
	v14 =	vadd.s32 @p2 v14, v19  }
0x1f6: {  	v9 =	vpsel p3, v9, v0;
	v17 =	vadd.s32 @p2 $0xFFFFFFFF, v17;
	v63, _, _ =	vpop (xrf0);
	v11 =	vpsel p2, v14, v11  }
0x1f7: {  	vm3 =	vmmov vm15;
	v14 =	vpsel p2, v17, v0;
	v11 =	vadd.s32 v63, v11  }
0x1f8: {  	v11 =	vadd.s32 $0xFFFFFFFF, v11  }
0x1f9: {  	v17 =	vmov @p2 v18;
	v18 =	vmov @p3 v20  }
0x1fa: {  	[tilespmem:v16+s11+$0x0] =	vst.idx.msk @p4 vm0, v15;
	v12 =	vpsel p2, v17, v12;
	v15 =	vpsel p3, v18, v0  }
0x1fb: {  	[tilespmem:v9+s11+$0x0] =	vst.idx.msk @p3 vm2, v15;
	v9 =	vpsel p2, v12, v0  }
0x1fc: {  	[tilespmem:v14+s11+$0x0] =	vst.idx.msk @p2 vm1, v9  }
0x1fd: {  	[tilespmem:v11+s11+$0x0] =	vst.idx.msk vm3, v13  }
.LBB2_42:
0x1fe: {  	v10 =	vperm.xlane v10, v8;
	_ =	sdelay $0x1  }
0x1ff: {  	v9 =	vxor.u32 $0x80000000, v10  }
0x200: {  	(xrf0) =	vmax.scan.msk.u32 $0xffff, v9;
	_ =	sdelay $0x5  }
0x201: {  	v9, _, _ =	vpop (xrf0)  }
0x202: {  	(v2sf) =	vpush v9, $0xF;
	_ =	sdelay $0xe  }
0x203: {  	s16 =	spop (v2sf)  }
0x204: {  	[tilespmem:$0x6000] =	vst v1;
	s16 =	sxor.u32 $0x80000000, s16  }
0x205: {  	[tilespmem:$0x6010] =	vst v1;
	s16 =	smov.u32 @p1 s15  }
0x206: {  	[tilespmem:$0x6020] =	vst v1;
	s15 =	sadd.s32 $0xF, s16  }
0x207: {  	[tilespmem:$0x6030] =	vst v1;
	s17 =	sand.u32 $0xF, s15  }
0x208: {  	[tilespmem:$0x6040] =	vst v1;
	s31 =	sshra.s32 s15, $0x1F;
	p3 =	slt.s32 s15, $0x1;
	p2 =	sne.s32 s17, $0x0  }
0x209: {  	[tilespmem:$0x6050] =	vst v1;
	s17 =	sshrl.u32 s31, $0x1C;
	p2 =	por !p3, !p2  }
0x20a: {  	[tilespmem:$0x6060] =	vst v1;
	s15 =	sadd.s32 s17, s15;
	s17 =	simm.s32 $0x1;
	p2 =	por !p2, !p2  }
0x20b: {  	[tilespmem:$0x6070] =	vst v1;
	s15 =	sshra.s32 s15, $0x4;
	s17 =	simm.s32 @!p2 $0x0  }
0x20c: {  	[tilespmem:$0x6080] =	vst v1;
	p2 =	slt.s32 s16, $0x11;
	s15 =	ssub.s32 s15, s17  }
0x20d: {  	[tilespmem:$0x6090] =	vst v1;
	s15 =	simm.s32 @p2 $0x0  }
0x20e: {  	[tilespmem:$0x60A0] =	vst v1;
	p3 =	sgt.s32 s15, $0x0  }
.Ltmp24:
0x20f: {  	[tilespmem:$0x60B0] =	vst v1;
	(pc) =	sbr.rel @!p3 .LBB2_48-.Ltmp24, $4  }
0x210: {  	[tilespmem:$0x60C0] =	vst v1  }
0x211: {  	[tilespmem:$0x60D0] =	vst v1  }
0x212: {  	[tilespmem:$0x60E0] =	vst v1  }
0x213: {  	[tilespmem:$0x60F0] =	vst v1;
	v9 =	vmov s16  }
0x214: {  	p5 =	seq.s32 s15, $0x1  }
.Ltmp25:
0x215: {  	_ = 	snop;
	(pc) =	sbr.rel @p5 .LBB2_44-.Ltmp25, $3  }
0x216: {  	_ =	sdelay $0x1  }
0x217: {  	s18 =	simm.s32 $0x5000;
	s17 =	simm.s32 $0x0  }
0x218: {  	s19 =	simm.s32 $0x5010;
	p4 =	por $0x0, $0x0;
	v12 =	vld [tilespmem:s18+$0x0];
	s18 =	sadd.s32 $0xFFFFFFFF, s15  }
0x219: {  	_ =	sdelay $0x3  }
0x21a: {  	v13 =	vor.u32 s17, v0;
	p5 =	seq.s32 s18, $0x1;
	v11 =	vshll.u32 v12, $0x4;
	v12 =	vshrl.u32 v12, $0x4  }
.Ltmp26:
0x21b: {  	vm0 =	vlt.s32 v13, v9;
	v11 =	vand.u32 $0xF0, v11;
	v14 =	vand.u32 $0xF, v12;
	v12 =	vld [tilespmem:s19+$0x0];
	(pc) =	sbr.rel @p5 .LBB2_47-.Ltmp26, $3  }
0x21c: {  	v11 =	vor.u32 v14, v11;
	_ =	sdelay $0x1  }
0x21d: {  	s18 =	sadd.s32 $0xFFFFFFFF, s18  }
0x21e: {  	s17 =	simm.s32 $0x10;
	p4 =	por $0x1, $0x1;
	s19 =	simm.s32 $0x5020  }
.LBB2_46:
0x21f: {  	v13 =	vor.u32 s17, v0;
	v14 =	vshll.u32 v12, $0x4;
	v15 =	vshrl.u32 v12, $0x4;
	v12 =	vld [tilespmem:s19+$0x0];
	p5 =	seq.s32 s18, $0x1  }
.Ltmp27:
0x220: {  	s18 =	sadd.s32 $0xFFFFFFFF, s18;
	v14 =	vand.u32 $0xF0, v14;
	v15 =	vand.u32 $0xF, v15;
	[tilespmem:v11+s7+$0x0] =	vst.idx.add.s32.msk vm0, v2;
	vm0 =	vlt.s32 v13, v9;
	(pc) =	sbr.rel @!p5 .LBB2_46-.Ltmp27, $2  }
0x221: {  	v11 =	vor.u32 v15, v14;
	_ =	sdelay $0x2  }
0x222: {  	s19 =	sadd.s32 $0x10, s19;
	s17 =	sadd.s32 $0x10, s17  }
.LBB2_47:
0x223: {  	v13 =	vor.u32 s17, v0;
	v14 =	vshll.u32 v12, $0x4;
	v62 =	vshrl.u32 v12, $0x4  }
0x224: {  	vm1 =	vlt.s32 v13, v9;
	v63 =	vand.u32 $0xF0, v14;
	v12 =	vand.u32 $0xF, v62  }
0x225: {  	v12 =	vor.u32 v12, v63;
	_ =	sdelay $0x3  }
0x226: {  	[tilespmem:v11+s7+$0x0] =	vst.idx.add.s32.msk @p4 vm0, v2  }
0x227: {  	[tilespmem:v12+s7+$0x0] =	vst.idx.add.s32.msk vm1, v2  }
.LBB2_48:
0x228: {  	v11 =	vld [tilespmem:$0x6000]  }
0x229: {  	v12 =	vld [tilespmem:$0x6010]  }
0x22a: {  	v13 =	vld [tilespmem:$0x6020]  }
0x22b: {  	v14 =	vld [tilespmem:$0x6030]  }
0x22c: {  	v15 =	vld [tilespmem:$0x6040]  }
0x22d: {  	v16 =	vld [tilespmem:$0x6050]  }
0x22e: {  	v17 =	vld [tilespmem:$0x6060];
	v11 =	vadd.s32 v11, v12  }
0x22f: {  	v52 =	vld [tilespmem:$0x6070];
	v11 =	vadd.s32 v13, v11  }
0x230: {  	v53 =	vld [tilespmem:$0x6080];
	v11 =	vadd.s32 v14, v11  }
0x231: {  	v54 =	vld [tilespmem:$0x6090];
	v11 =	vadd.s32 v15, v11  }
0x232: {  	v55 =	vld [tilespmem:$0x60A0];
	v11 =	vadd.s32 v16, v11  }
0x233: {  	v56 =	vld [tilespmem:$0x60B0];
	v11 =	vadd.s32 v17, v11  }
0x234: {  	v57 =	vld [tilespmem:$0x60C0];
	v11 =	vadd.s32 v52, v11  }
0x235: {  	v58 =	vld [tilespmem:$0x60D0];
	v11 =	vadd.s32 v53, v11  }
0x236: {  	v59 =	vld [tilespmem:$0x60E0];
	v11 =	vadd.s32 v54, v11  }
0x237: {  	v60 =	vld [tilespmem:$0x60F0];
	v11 =	vadd.s32 v55, v11  }
0x238: {  	v11 =	vadd.s32 v56, v11  }
0x239: {  	v11 =	vadd.s32 v57, v11  }
0x23a: {  	v11 =	vadd.s32 v58, v11  }
0x23b: {  	v11 =	vadd.s32 v59, v11  }
0x23c: {  	v61 =	vadd.s32 v60, v11  }
0x23d: {  	v11 =	vperm.xlane v61, v3;
	_ =	sdelay $0x1  }
0x23e: {  	(xrf0) =	vadd.scan.msk.s32 $0xffff, v11;
	_ =	sdelay $0x3  }
0x23f: {  	v7 =	vperm.xlane v7, v8;
	_ =	sdelay $0x1  }
0x240: {  	v7 =	vsub.s32 v10, v7;
	v8, _, _ =	vpop (xrf0)  }
0x241: {  	v7 =	vpsel p1, $0x0, v7;
	v10 =	vperm.xlane v8, v3  }
0x242: {  	v6 =	vadd.s32 v6, v7  }
0x243: {  	vm0 =	vge.s32 v10, v6  }
0x244: {  	v7 =	vmpcnt.ones.xlane vm0;
	_ =	sdelay $0x1  }
0x245: {  	v7 =	vadd.s32 $0xFFFFFFFF, v7  }
0x246: {  	vm13 =	vgt.s32 v7, $0x0  }
0x247: {  	v11 =	vnsel vm13, $0x0, v7  }
0x248: {  	v7 =	vadd.s32 v4, v11;
	_ =	sdelay $0x4  }
0x249: {  	v8 =	vld.idx.msk [tilespmem:v7+s7+$0x0], $0xffff;
	_ =	sdelay $0x4  }
0x24a: {  	v7 =	vperm.xlane v8, v3;
	_ =	sdelay $0x1  }
0x24b: {  	(xrf0) =	vadd.scan.msk.s32 $0xffff, v7;
	_ =	sdelay $0x5  }
0x24c: {  	v7 =	vperm.xlane v10, v11;
	v10 =	vperm.xlane v61, v11;
	v62, _, _ =	vpop (xrf0)  }
0x24d: {  	v12 =	vperm.xlane v62, v3  }
0x24e: {  	v7 =	vsub.s32 v7, v10  }
0x24f: {  	v7 =	vadd.s32 v7, v12  }
0x250: {  	v63 =	vld [tilespmem:$0x5000];
	vm14 =	vge.s32 v7, v6  }
.Ltmp28:
0x251: {  	v10 =	vmpcnt.ones.xlane vm14;
	(pc) =	sbr.rel @!p3 .LBB2_58-.Ltmp28, $4  }
0x252: {  	_ = 	snop  }
0x253: {  	v10 =	vadd.s32 $0xFFFFFFFF, v10  }
0x254: {  	vm15 =	vgt.s32 v10, $0x0  }
0x255: {  	[tilespmem:$0x4000] =	vst v63;
	v10 =	vnsel vm15, $0x0, v10  }
0x256: {  	s18 =	simm.s32 $0x5000  }
0x257: {  	p4 =	seq.s32 s15, $0x1;
	v12 =	vld [tilespmem:s18+$0x0]  }
.Ltmp29:
0x258: {  	_ = 	snop;
	(pc) =	sbr.rel @p4 .LBB2_50-.Ltmp29, $4  }
0x259: {  	_ = 	snop  }
0x25a: {  	v11 =	vshll.u32 v11, $0x4  }
0x25b: {  	s17 =	simm.s32 $0x0;
	s15 =	sadd.s32 $0xFFFFFFFF, s15;
	v13 =	vadd.s32 v11, v10  }
0x25c: {  	p1 =	por $0x0, $0x0;
	p3 =	por $0x0, $0x0;
	v11 =	vimm.s32 $0x0;
	v16 =	vor.u32 s17, v0;
	s17 =	simm.s32 $0x5010;
	v17 =	vand.u32 $0xFF, v12  }
0x25d: {  	v14 =	vld [tilespmem:s17+$0x0];
	p4 =	seq.s32 s15, $0x1  }
.Ltmp30:
0x25e: {  	_ = 	snop;
	(pc) =	sbr.rel @p4 .LBB2_52-.Ltmp30, $4  }
0x25f: {  	vm0 =	vlt.s32 v16, v9;
	vm1 =	veq.s32 v17, v13  }
0x260: {  	vm0 =	vmand vm0, vm1  }
0x261: {  	s18 =	simm.s32 $0x10;
	v15 =	vsel vm0, $0x1, v1  }
0x262: {  	s17 =	sadd.s32 $0xFFFFFFFF, s15;
	s15 =	simm.s32 $0x5020;
	p1 =	por $0x1, $0x1;
	v16 =	vor.u32 s18, v0;
	(xrf0) =	vadd.scan.msk.s32 $0xffff, v15;
	v17 =	vand.u32 $0xFF, v14  }
0x263: {  	_ = 	snop  }
0x264: {  	v19 =	vld [tilespmem:s15+$0x0]  }
0x265: {  	vm1 =	vlt.s32 v16, v9;
	vm2 =	veq.s32 v17, v13;
	p4 =	seq.s32 s17, $0x1  }
.Ltmp31:
0x266: {  	vm3 =	vmmov vm0;
	vm0 =	vmand vm1, vm2;
	(pc) =	sbr.rel @p4 .LBB2_54-.Ltmp31, $4  }
0x267: {  	v15 =	vsel vm0, $0x1, v1  }
0x268: {  	v16, _, _ =	vpop (xrf0);
	(xrf0) =	vadd.scan.msk.s32 $0xffff, v15  }
0x269: {  	s15 =	simm.s32 $0x20;
	vm1 =	vmmov vm3;
	v17 =	vand.u32 $0xFF, v19;
	v18 =	vadd.s32 v16, v11  }
0x26a: {  	s17 =	sadd.s32 $0xFFFFFFFF, s17;
	s18 =	simm.s32 $0x5030;
	p3 =	por $0x1, $0x1;
	v16 =	vor.u32 s15, v0;
	v15 =	vadd.s32 $0xFFFFFFFF, v18;
	v18 =	vimm.s32 $0x0  }
.LBB2_55:
0x26b: {  	v20 =	vld [tilespmem:s18+$0x0];
	p4 =	seq.s32 s17, $0x1;
	s17 =	sadd.s32 $0xFFFFFFFF, s17;
	vm2 =	vlt.s32 v16, v9;
	vm3 =	veq.s32 v17, v13;
	vm4 =	vmmov vm0  }
.Ltmp32:
0x26c: {  	v16 =	vmpcnt.ones.xlane vm1;
	vm0 =	vmand vm2, vm3;
	(pc) =	sbr.rel @!p4 .LBB2_55-.Ltmp32, $4  }
0x26d: {  	v21 =	vsel vm0, $0x1, v1  }
0x26e: {  	v18 =	vadd.s32 v18, v16;
	(xrf0) =	vadd.scan.msk.s32 $0xffff, v21;
	v17, _, _ =	vpop (xrf0)  }
0x26f: {  	s15 =	sadd.s32 $0x10, s15;
	v21 =	vadd.s32 v17, v18;
	[tilespmem:v15+s10+$0x0] =	vst.idx.msk vm1, v12;
	v12 =	vmovc v14;
	v14 =	vmov v19;
	vm1 =	vmmov vm4  }
0x270: {  	s18 =	sadd.s32 $0x10, s18;
	v16 =	vor.u32 s15, v0;
	v17 =	vand.u32 $0xFF, v20;
	v15 =	vadd.s32 $0xFFFFFFFF, v21;
	v19 =	vmovc v20  }
0x271: {  	v20 =	vmov v12;
	v21 =	vmov v14;
	v12 =	vmov v19  }
.LBB2_57:
0x272: {  	vm2 =	vlt.s32 v16, v9;
	vm3 =	veq.s32 v17, v13  }
0x273: {  	vm2 =	vmand vm2, vm3  }
0x274: {  	v9 =	vsel vm2, $0x1, v1  }
0x275: {  	vm0 =	vmmov @p1 vm0;
	(xrf0) =	vadd.scan.msk.s32 $0xffff, v9  }
0x276: {  	vm0 =	vmmov @p1 vm0;
	v9 =	vmpcnt.ones.xlane @p3 vm1  }
0x277: {  	vm0 =	vmmov @p1 vm0  }
0x278: {  	v13 =	vmpcnt.ones.xlane @p1 vm0;
	v9 =	vadd.s32 @p3 v18, v9  }
0x279: {  	v14, _, _ =	vpop @p1 (xrf0);
	v9 =	vpsel p3, v9, v11  }
0x27a: {  	v14 =	vadd.s32 @p1 v14, v9;
	v9 =	vadd.s32 @p1 v9, v13  }
0x27b: {  	vm2 =	vmmov vm2;
	v13 =	vadd.s32 @p1 $0xFFFFFFFF, v14;
	v9 =	vpsel p1, v9, v11;
	v63, _, _ =	vpop (xrf0)  }
0x27c: {  	vm2 =	vmmov vm2;
	v11 =	vpsel p1, v13, v0;
	v9 =	vadd.s32 v63, v9  }
0x27d: {  	v9 =	vadd.s32 $0xFFFFFFFF, v9;
	_ =	sdelay $0x1  }
0x27e: {  	v13 =	vmov @p1 v21  }
0x27f: {  	[tilespmem:v15+s10+$0x0] =	vst.idx.msk @p3 vm1, v20;
	v13 =	vpsel p1, v13, v0  }
0x280: {  	[tilespmem:v11+s10+$0x0] =	vst.idx.msk @p1 vm0, v13  }
0x281: {  	[tilespmem:v9+s10+$0x0] =	vst.idx.msk vm2, v12  }
.LBB2_58:
0x282: {  	v8 =	vperm.xlane v8, v10;
	_ =	sdelay $0x1  }
0x283: {  	v9 =	vxor.u32 $0x80000000, v8  }
0x284: {  	(xrf0) =	vmax.scan.msk.u32 $0xffff, v9;
	_ =	sdelay $0x5  }
0x285: {  	v9, _, _ =	vpop (xrf0)  }
0x286: {  	(v2sf) =	vpush v9, $0xF;
	_ =	sdelay $0xe  }
0x287: {  	v9 =	vld [tilespmem:$0x4000];
	s15 =	spop (v2sf)  }
0x288: {  	s15 =	sxor.u32 $0x80000000, s15  }
0x289: {  	s15 =	smov.u32 @p2 s16  }
0x28a: {  	v11 =	vmov s15  }
0x28b: {  	vm0 =	vgt.s32 v11, v0  }
0x28c: {  	v11 =	vnsel vm0, $0x80000000, v9  }
0x28d: {  	v12 =	vxor.u32 $0x80000000, v11  }
0x28e: {  	(xrf1) =	vsort.dscd.msk.u32 $0xffff, v12, v11;
	_ =	sdelay $0x9  }
0x28f: {  	v7 =	vperm.xlane v7, v10;
	_ =	sdelay $0x1  }
0x290: {  	v7 =	vsub.s32 v8, v7  }
0x291: {  	v7 =	vpsel p2, $0x0, v7  }
0x292: {  	v6 =	vadd.s32 v7, v6;
	v8, _, _ =	vpop (xrf1)  }
0x293: {  	s31 =	simm.s32 $0x2020;
	v6 =	vadd.s32 $0xFFFFFFFF, v6;
	v7 =	vxor.u32 $0x80000000, v8  }
0x294: {  	v10 =	vld [tilespmem:s31+$0x0];
	v6 =	vperm.xlane v7, v6;
	v7 =	vperm.xlane v9, v1  }
0x295: {  	p1 =	slt.s32 s15, $0x11;
	v9 =	vld [tilespmem:s31+$0x10]  }
0x296: {  	v6 =	vpsel p1, v6, v7;
	v7 =	vld [tilespmem:s31+$0xFFFFFFE0]  }
0x297: {  	v11 =	vld [tilespmem:s31+$0xFFFFFFF0];
	_ =	sdelay $0x1  }
0x298: {  	s15 =	simm.s32 $0x2060;
	vm1 =	vlt.s32 v10, v6  }
0x299: {  	s14 =	sadd.s32 $0x6220, s14;
	v8 =	vld [tilespmem:s15+$0xFFFFFFE0];
	v63 =	vsel vm1, $0x0, v5;
	vm14 =	vlt.s32 v9, v6  }
0x29a: {  	v9 =	vld [tilespmem:s15+$0x0];
	[tilespmem:s14+$0x0] =	vst v63;
	v10 =	vsel vm14, $0x0, v5;
	vm13 =	vlt.s32 v7, v6  }
0x29b: {  	vm15 =	vlt.s32 v11, v6;
	v7 =	vld [tilespmem:s15+$0x10];
	[tilespmem:s14+$0x10] =	vst v10;
	v62 =	vsel vm13, $0x0, v5  }
0x29c: {  	s16 =	simm.s32 $0x4;
	v11 =	vsel vm15, $0x0, v5;
	v10 =	vld [tilespmem:s15+$0xFFFFFFF0];
	[tilespmem:s14+$0xFFFFFFE0] =	vst v62  }
.LBB2_59:
0x29d: {  	s16 =	sadd.s32 $0x4, s16  }
0x29e: {  	[tilespmem:s14+$0xFFFFFFF0] =	vst v11;
	s14 =	sadd.s32 $0x40, s14;
	p1 =	slt.u32 s16, $0xFC  }
.Ltmp33:
0x29f: {  	s15 =	sadd.s32 $0x40, s15;
	vm0 =	vlt.s32 v8, v6;
	(pc) =	sbr.rel @p1 .LBB2_59-.Ltmp33, $4  }
0x2a0: {  	v8 =	vld [tilespmem:s15+$0xFFFFFFE0];
	v11 =	vsel vm0, $0x0, v5;
	vm0 =	vlt.s32 v7, v6  }
0x2a1: {  	v7 =	vld [tilespmem:s15+$0x10];
	[tilespmem:s14+$0xFFFFFFE0] =	vst v11;
	vm1 =	vlt.s32 v9, v6;
	v11 =	vsel vm0, $0x0, v5  }
0x2a2: {  	v9 =	vld [tilespmem:s15+$0x0];
	vm0 =	vlt.s32 v10, v6;
	v12 =	vsel vm1, $0x0, v5;
	[tilespmem:s14+$0x10] =	vst v11  }
0x2a3: {  	v10 =	vld [tilespmem:s15+$0xFFFFFFF0];
	v11 =	vsel vm0, $0x0, v5;
	[tilespmem:s14+$0x0] =	vst v12  }
0x2a4: {  	_ = 	snop  }
0x2a5: {  	vm0 =	vlt.s32 v8, v6  }
.Ltmp34:
0x2a6: {  	[tilespmem:s14+$0xFFFFFFF0] =	vst v11;
	s31 =	sadd.s32 $0x40, s14;
	v8 =	vsel vm0, $0x0, v5;
	vm14 =	vlt.s32 v7, v6;
	(pc) =	sbr.rel @p0 .LBB2_2-.Ltmp34, $4  }
.Ltmp35:
0x2a7: {  	[tilespmem:s31+$0xFFFFFFE0] =	vst v8;
	vm1 =	vlt.s32 v9, v6;
	v7 =	vsel vm14, $0x0, v5;
	(pc) =	sbr.rel @!p0 .LBB2_61-.Ltmp35, $4  }
0x2a8: {  	vm15 =	vlt.s32 v10, v6;
	v6 =	vsel vm1, $0x0, v5;
	[tilespmem:s31+$0x10] =	vst v7  }
0x2a9: {  	v7 =	vsel vm15, $0x0, v5;
	[tilespmem:s31+$0x0] =	vst v6  }
0x2aa: {  	s14 =	simm.s32 $0x4000;
	p1 =	por $0x0, $0x0;
	[tilespmem:s31+$0xFFFFFFF0] =	vst v7  }
0x2ab: {  	_ = 	snop  }
.LBB2_8:
.Ltmp36:
0x2ac: {  	(pc) =	sbr.rel .LBB2_11-.Ltmp36, $2  }
0x2ad: {  	_ =	sdelay $0x2  }
0x2ae: {  	_ = 	snop  }
.LBB2_14:
.Ltmp37:
0x2af: {  	_ = 	snop;
	(pc) =	sbr.rel .LBB2_23-.Ltmp37, $2  }
0x2b0: {  	_ =	sdelay $0x2  }
0x2b1: {  	v17 =	vimm.s32 $0x0;
	s17 =	simm.s32 $0x0;
	v13 =	vmov v12  }
.LBB2_26:
.Ltmp38:
0x2b2: {  	(pc) =	sbr.rel .LBB2_29-.Ltmp38, $2  }
0x2b3: {  	_ =	sdelay $0x2  }
0x2b4: {  	_ = 	snop  }
.LBB2_32:
.Ltmp39:
0x2b5: {  	_ = 	snop;
	(pc) =	sbr.rel .LBB2_41-.Ltmp39, $2  }
0x2b6: {  	_ =	sdelay $0x2  }
0x2b7: {  	v17 =	vimm.s32 $0x0;
	s17 =	simm.s32 $0x0;
	v13 =	vmov v12  }
.LBB2_44:
.Ltmp40:
0x2b8: {  	(pc) =	sbr.rel .LBB2_47-.Ltmp40, $2  }
0x2b9: {  	_ =	sdelay $0x2  }
0x2ba: {  	_ = 	snop  }
.LBB2_50:
.Ltmp41:
0x2bb: {  	(pc) =	sbr.rel .LBB2_57-.Ltmp41, $2  }
0x2bc: {  	_ =	sdelay $0x2  }
0x2bd: {  	v18 =	vimm.s32 $0x0  }
.LBB2_16:
.Ltmp42:
0x2be: {  	(pc) =	sbr.rel .LBB2_23-.Ltmp42, $2  }
0x2bf: {  	_ =	sdelay $0x2  }
0x2c0: {  	v18 =	vmov v12;
	v17 =	vimm.s32 $0x0;
	s17 =	simm.s32 $0x0  }
.LBB2_34:
.Ltmp43:
0x2c1: {  	(pc) =	sbr.rel .LBB2_41-.Ltmp43, $2  }
0x2c2: {  	_ =	sdelay $0x2  }
0x2c3: {  	v18 =	vmov v12;
	v17 =	vimm.s32 $0x0;
	s17 =	simm.s32 $0x0  }
.LBB2_52:
.Ltmp44:
0x2c4: {  	(pc) =	sbr.rel .LBB2_57-.Ltmp44, $2  }
0x2c5: {  	_ =	sdelay $0x2  }
0x2c6: {  	v21 =	vmov v12;
	v18 =	vimm.s32 $0x0;
	v12 =	vmov v14  }
.LBB2_18:
.Ltmp45:
0x2c7: {  	(pc) =	sbr.rel .LBB2_23-.Ltmp45, $2  }
0x2c8: {  	_ =	sdelay $0x2  }
0x2c9: {  	v18 =	vmovc v13;
	v17 =	vimm.s32 $0x0;
	v20 =	vmovc v12;
	vm2 =	vmmov vm1;
	v13 =	vmov v19  }
.LBB2_36:
.Ltmp46:
0x2ca: {  	(pc) =	sbr.rel .LBB2_41-.Ltmp46, $2  }
0x2cb: {  	_ =	sdelay $0x2  }
0x2cc: {  	v18 =	vmovc v13;
	v17 =	vimm.s32 $0x0;
	v20 =	vmovc v12;
	vm2 =	vmmov vm1;
	v13 =	vmov v19  }
.LBB2_54:
.Ltmp47:
0x2cd: {  	(pc) =	sbr.rel .LBB2_57-.Ltmp47, $2  }
0x2ce: {  	_ =	sdelay $0x2  }
0x2cf: {  	v20 =	vmovc v12;
	v18 =	vimm.s32 $0x0;
	v21 =	vmov v14;
	v12 =	vmov v19  }
.LBB2_20:
.Ltmp48:
0x2d0: {  	_ = 	snop;
	(pc) =	sbr.rel .LBB2_23-.Ltmp48, $2  }
0x2d1: {  	_ =	sdelay $0x2  }
0x2d2: {  	v20 =	vmovc v13;
	v15 =	vmovc v12;
	v17 =	vimm.s32 $0x0;
	v18 =	vmov v19;
	v13 =	vmov v22  }
.LBB2_38:
.Ltmp49:
0x2d3: {  	_ = 	snop;
	(pc) =	sbr.rel .LBB2_41-.Ltmp49, $2  }
0x2d4: {  	_ =	sdelay $0x2  }
0x2d5: {  	v20 =	vmovc v13;
	v15 =	vmovc v12;
	v17 =	vimm.s32 $0x0;
	v18 =	vmov v19;
	v13 =	vmov v22  }
.LBB2_62:
0x2d6: {  	_ =	sfence.sel $0x180000  }
0x2d7: {  	[bflag:$0x0] =	sbarrier.arrive $0xFFFF  }
0x2d8: {  	p0 =	sne.s32 s1, $0x0;
	_ =	strace $0x90000047  }
0x2d9: {  	s0 =	sadd.s32 @!p0 $0x100000, s0;
	[bflag:$0x2] =	sbarrier.arrive $0xFFFF  }
0x2da: {  	[sflag:s0] =	ssyncadd.tile.s32 @!p0 $0x1;
	_ =	shalt  }
.Lfunc_end2:
_tile_overlayer_lowered:
.L_overlay_start_2:
0x2db: {  	(tag) =	ssettag $0x2  }
0x2dc: {  	s0 =	rddreg [dreg:$0x0];
	s2 =	stileid.u32  }
0x2dd: {  	s1 =	rddreg [dreg:$0x1];
	p0 =	sne.s32 s2, $0x0  }
0x2de: {  	s3 =	rddreg [dreg:$0x2];
	[bflag:$0x3] =	sbarrier.arrive $0xFFFF;
	s2 =	simm.s32 @!p0 $0x1C01  }
0x2df: {  	[timem:s3], [sflag:s2] =	dma.local @!p0 [hbm:s0], s1  }
0x2e0: {  	s0 =	simm.s32 @!p0 $0x1  }
0x2e1: {  	_ =	swait.ge @!p0 [sflag:s0], s1  }
0x2e2: {  	s1 =	ssub.s32 @!p0 $0x0, s1;
	[sflag:s0] =	ssyncset.done @!p0 $0x0  }
0x2e3: {  	[sflag:s0] =	ssyncadd.s32 @!p0 s1  }
0x2e4: {  	[bflag:$0x3] =	sbarrier.arrive $0xFFFF  }
0x2e5: {  	_ =	shalt  }

</sc_bundles>
